<compile_context>
chip_gen: v7x
topology: tpu7x:2x2x1
jax: 0.10.2.dev20260603
libtpu: 0.0.44.dev20260713+nightly
codegen_flags: <defaults>
</compile_context>

<pallas_src>
import functools

import jax
import jax.numpy as jnp
from jax import lax
from jax.experimental import pallas as pl
from jax.experimental.pallas import tpu as pltpu
from jax.experimental.pallas import tpu_sc as plsc

NC = 2
NS = 16
LANES = 16
NW = NC * NS
CHUNK = 128


def _sc_degree(dst_r, n_pad):
    cpw = dst_r.shape[1]
    stripe = n_pad // NS
    mesh = plsc.VectorSubcoreMesh(core_axis_name="c", subcore_axis_name="s")

    @functools.partial(
        pl.kernel,
        out_type=jax.ShapeDtypeStruct((NC, n_pad), jnp.float32),
        mesh=mesh,
        scratch_types=[
            pltpu.VMEM((cpw, CHUNK), jnp.int32),
            pltpu.VMEM((CHUNK,), jnp.float32),
            pltpu.VMEM((stripe,), jnp.float32),
            pltpu.VMEM_SHARED((n_pad,), jnp.float32),
        ],
    )
    def deg_kernel(dst_hbm, out_hbm, dst_v, ones_v, zero_v, hist_sh):
        c = lax.axis_index("c")
        s = lax.axis_index("s")
        wid = s * NC + c

        for r in range(CHUNK // LANES):
            ones_v[pl.ds(r * LANES, LANES)] = jnp.ones((LANES,), jnp.float32)

        def zfill(r, carry):
            zero_v[pl.ds(r * LANES, LANES)] = jnp.zeros((LANES,), jnp.float32)
            return carry

        lax.fori_loop(0, stripe // LANES, zfill, 0)
        pltpu.sync_copy(zero_v, hist_sh.at[pl.ds(s * stripe, stripe)])
        plsc.subcore_barrier()

        pltpu.sync_copy(dst_hbm.at[wid], dst_v)

        def body(j, carry):
            pltpu.sync_copy(ones_v, hist_sh.at[dst_v.at[j]], add=True)
            return carry

        lax.fori_loop(0, cpw, body, 0)
        plsc.subcore_barrier()
        pltpu.sync_copy(hist_sh.at[pl.ds(s * stripe, stripe)],
                        out_hbm.at[c, pl.ds(s * stripe, stripe)])

    return deg_kernel(dst_r)


def _sc_aggregate(q, src_r, dst_r, n_pad):
    d = q.shape[1]
    cpw = src_r.shape[1]
    stripe = n_pad // NS
    mesh = plsc.VectorSubcoreMesh(core_axis_name="c", subcore_axis_name="s")

    @functools.partial(
        pl.kernel,
        out_type=jax.ShapeDtypeStruct((NC, n_pad, d), jnp.float32),
        mesh=mesh,
        scratch_types=[
            pltpu.VMEM((cpw, CHUNK), jnp.int32),
            pltpu.VMEM((cpw, CHUNK), jnp.int32),
            pltpu.VMEM((CHUNK, d), jnp.float32),
            pltpu.VMEM_SHARED((n_pad, d), jnp.float32),
            pltpu.SemaphoreType.DMA,
        ],
    )
    def agg_kernel(q_hbm, src_hbm, dst_hbm, out_hbm,
                   src_v, dst_v, rows_v, acc_sh, sem):
        c = lax.axis_index("c")
        s = lax.axis_index("s")
        wid = s * NC + c

        def zfill(r, carry):
            for cc in range(d // LANES):
                rows_v[r, pl.ds(cc * LANES, LANES)] = jnp.zeros(
                    (LANES,), jnp.float32)
            return carry

        lax.fori_loop(0, CHUNK, zfill, 0)
        for t in range(stripe // CHUNK):
            pltpu.sync_copy(rows_v,
                            acc_sh.at[pl.ds(s * stripe + t * CHUNK, CHUNK)])
        plsc.subcore_barrier()

        pltpu.sync_copy(src_hbm.at[wid], src_v)
        pltpu.sync_copy(dst_hbm.at[wid], dst_v)

        def body(j, carry):
            pltpu.async_copy(q_hbm.at[src_v.at[j]], rows_v, sem).wait()
            pltpu.sync_copy(rows_v, acc_sh.at[dst_v.at[j]], add=True)
            return carry

        lax.fori_loop(0, cpw, body, 0)
        plsc.subcore_barrier()
        pltpu.sync_copy(acc_sh.at[pl.ds(s * stripe, stripe)],
                        out_hbm.at[c, pl.ds(s * stripe, stripe)])

    return agg_kernel(q, src_r, dst_r)


def _tc_scale_matmul(dg0, dg1, x, w, rows):
    n_pad, d = x.shape
    grid = (n_pad // rows,)

    def body(dg0_ref, dg1_ref, x_ref, w_ref, q_ref):
        deg = dg0_ref[...] + dg1_ref[...]
        dinv = lax.rsqrt(jnp.maximum(deg, 1.0))
        p = jnp.dot(x_ref[...], w_ref[...],
                    preferred_element_type=jnp.float32)
        q_ref[...] = dinv * p

    return pl.pallas_call(
        body,
        grid=grid,
        in_specs=[
            pl.BlockSpec((rows, 1), lambda i: (i, 0)),
            pl.BlockSpec((rows, 1), lambda i: (i, 0)),
            pl.BlockSpec((rows, d), lambda i: (i, 0)),
            pl.BlockSpec((d, d), lambda i: (0, 0)),
        ],
        out_specs=pl.BlockSpec((rows, d), lambda i: (i, 0)),
        out_shape=jax.ShapeDtypeStruct((n_pad, d), jnp.float32),
    )(dg0, dg1, x, w)


def _tc_combine_matmul(dg0, dg1, t0, t1, b1, w, rows):
    n_pad, d = t0.shape
    grid = (n_pad // rows,)

    def body(dg0_ref, dg1_ref, t0_ref, t1_ref, b1_ref, w_ref, q_ref):
        deg = dg0_ref[...] + dg1_ref[...]
        dinv = lax.rsqrt(jnp.maximum(deg, 1.0))
        h = jnp.maximum(dinv * (t0_ref[...] + t1_ref[...]) + b1_ref[...], 0.0)
        p = jnp.dot(h, w_ref[...], preferred_element_type=jnp.float32)
        q_ref[...] = dinv * p

    return pl.pallas_call(
        body,
        grid=grid,
        in_specs=[
            pl.BlockSpec((rows, 1), lambda i: (i, 0)),
            pl.BlockSpec((rows, 1), lambda i: (i, 0)),
            pl.BlockSpec((rows, d), lambda i: (i, 0)),
            pl.BlockSpec((rows, d), lambda i: (i, 0)),
            pl.BlockSpec((1, d), lambda i: (0, 0)),
            pl.BlockSpec((d, d), lambda i: (0, 0)),
        ],
        out_specs=pl.BlockSpec((rows, d), lambda i: (i, 0)),
        out_shape=jax.ShapeDtypeStruct((n_pad, d), jnp.float32),
    )(dg0, dg1, t0, t1, b1, w)


def _tc_combine(dg0, dg1, t0, t1, b2, n_out):
    _, d = t0.shape
    rows = next(r for r in (1024, 1000, 800, 640, 625, 500, 400, 250, 200,
                            128, 125, 100, 80, 64, 50, 40, 32, 25, 20, 16,
                            10, 8, 5, 4, 2, 1) if n_out % r == 0)
    grid = (n_out // rows,)

    def body(dg0_ref, dg1_ref, t0_ref, t1_ref, b2_ref, o_ref):
        deg = dg0_ref[...] + dg1_ref[...]
        dinv = lax.rsqrt(jnp.maximum(deg, 1.0))
        o_ref[...] = dinv * (t0_ref[...] + t1_ref[...]) + b2_ref[...]

    return pl.pallas_call(
        body,
        grid=grid,
        in_specs=[
            pl.BlockSpec((rows, 1), lambda i: (i, 0)),
            pl.BlockSpec((rows, 1), lambda i: (i, 0)),
            pl.BlockSpec((rows, d), lambda i: (i, 0)),
            pl.BlockSpec((rows, d), lambda i: (i, 0)),
            pl.BlockSpec((1, d), lambda i: (0, 0)),
        ],
        out_specs=pl.BlockSpec((rows, d), lambda i: (i, 0)),
        out_shape=jax.ShapeDtypeStruct((n_out, d), jnp.float32),
    )(dg0, dg1, t0, t1, b2)


def kernel(x, edge_index, W1, b1, W2, b2):
    n, d = x.shape
    e = edge_index.shape[1]

    stripe_unit = NS * CHUNK
    n_pad = ((n + 1 + stripe_unit - 1) // stripe_unit) * stripe_unit
    rows = 1024 if n_pad % 1024 == 0 else CHUNK

    loop = jnp.arange(n, dtype=edge_index.dtype)
    s_ext = jnp.concatenate([edge_index[0], loop])
    d_ext = jnp.concatenate([edge_index[1], loop])
    e_ext = e + n
    cpw = (e_ext + NW * CHUNK - 1) // (NW * CHUNK)
    e_pad = NW * cpw * CHUNK
    s_ext = jnp.pad(s_ext, (0, e_pad - e_ext))
    d_ext = jnp.pad(d_ext, (0, e_pad - e_ext), constant_values=n)
    src_r = s_ext.reshape(NW, cpw, CHUNK)
    dst_r = d_ext.reshape(NW, cpw, CHUNK)

    xp = jnp.pad(x, ((0, n_pad - n), (0, 0)))
    b1r = b1.reshape(1, d)
    b2r = b2.reshape(1, d)

    degp = _sc_degree(dst_r, n_pad)
    dg0 = degp[0].reshape(n_pad, 1)
    dg1 = degp[1].reshape(n_pad, 1)

    q1 = _tc_scale_matmul(dg0, dg1, xp, W1, rows)
    acc1 = _sc_aggregate(q1, src_r, dst_r, n_pad)
    q2 = _tc_combine_matmul(dg0, dg1, acc1[0], acc1[1], b1r, W2, rows)
    acc2 = _sc_aggregate(q2, src_r, dst_r, n_pad)
    return _tc_combine(dg0, dg1, acc2[0], acc2[1], b2r, n)

# --- scband reference (transcript-rebuilt; emitter-appended) ---
"""Pipeline reference for scband-gcn-31121333027359 (READ-ONLY COPY).

The authoritative reference and input builder live on the scoring server;
editing this copy changes nothing except your own understanding.
"""

import jax, jax.numpy as jnp
import numpy as np

N = 10000
E = 320000
D_IN = 128
D_HID = 128
D_OUT = 128


def setup_inputs(seed: int = 0) -> dict:
    key = jax.random.key(seed)
    ks = jax.random.split(key, 6)
    x = jax.random.normal(ks[0], (N, D_IN), dtype=jnp.float32)
    edge_index = jax.random.randint(ks[1], (2, E), 0, N, dtype=jnp.int32)
    W1 = jax.random.normal(ks[2], (D_IN, D_HID), dtype=jnp.float32) * (1.0 / np.sqrt(D_IN))
    b1 = jnp.zeros((D_HID,), dtype=jnp.float32)
    W2 = jax.random.normal(ks[3], (D_HID, D_OUT), dtype=jnp.float32) * (1.0 / np.sqrt(D_HID))
    b2 = jnp.zeros((D_OUT,), dtype=jnp.float32)
    return {"x": x, "edge_index": edge_index, "W1": W1, "b1": b1, "W2": W2, "b2": b2}


def _gcn_conv(x, src, dst, W, b):
    n = x.shape[0]
    # add self-loops (PyG GCNConv default)
    loop = jnp.arange(n, dtype=src.dtype)
    s = jnp.concatenate([src, loop])
    d = jnp.concatenate([dst, loop])
    # symmetric normalization D^{-1/2} (A+I) D^{-1/2}
    deg = jnp.zeros((n,), dtype=x.dtype).at[d].add(1.0)
    dinv = jnp.where(deg > 0, 1.0 / jnp.sqrt(deg), 0.0)
    norm = dinv[s] * dinv[d]
    h = x @ W
    msg = h[s] * norm[:, None]
    out = jax.ops.segment_sum(msg, d, num_segments=n)
    return out + b


def reference(x, edge_index, W1, b1, W2, b2):
    src = edge_index[0]
    dst = edge_index[1]
    h = jax.nn.relu(_gcn_conv(x, src, dst, W1, b1))
    out = _gcn_conv(h, src, dst, W2, b2)
    return out

if __name__ == "__main__":
    import jax
    _d = setup_inputs()
    print(jax.jit(kernel)(*tuple(_d.values())))

</pallas_src>

<mosaic_0001>
#map = affine_map<(d0, d1) -> (0, 0, 0)>
#map1 = affine_map<(d0, d1) -> (0, 0)>
module attributes {stable_mosaic.version = 14 : i64} {
  func.func @deg_kernel(%arg0: i32, %arg1: i32, %arg2: memref<32x81x128xi32, #tpu.memory_space<hbm>>, %arg3: memref<2x10240xf32, #tpu.memory_space<hbm>>, %arg4: memref<81x128xi32, #tpu.memory_space<vmem>>, %arg5: memref<128xf32, #tpu.memory_space<vmem>>, %arg6: memref<640xf32, #tpu.memory_space<vmem>>, %arg7: memref<10240xf32, #tpu.memory_space<vmem_shared>>) attributes {dimension_semantics = [#tpu.dimension_semantics<core_parallel>, #tpu.dimension_semantics<subcore_parallel>], iteration_bounds = array<i64: 2, 16>, scalar_prefetch = 0 : i64, scratch_operands = 4 : i64, tpu.core_type = #tpu.core_type<sc_vector_subcore>, window_params = [{transform_indices = #map}, {transform_indices = #map1}]} {
    %mul3A = arith.constant 2 : i32
    %mul3A_0 = arith.muli %arg1, %mul3A : i32
    %add3A = arith.addi %mul3A_0, %arg0 : i32
    %broadcast_in_dim3A = arith.constant 1.000000e+00 : f32
    %broadcast_in_dim3A_1 = vector.broadcast %broadcast_in_dim3A : f32 to vector<16xf32>
    %swap3A = arith.constant 0 : index
    %swap3A_2 = tpu.vector_load %arg5[%swap3A] {strides = array<i32>} : memref<128xf32, #tpu.memory_space<vmem>>, vector<16xf32>,
    %swap3A_3 = vector.shape_cast %swap3A_2 : vector<16xf32> to vector<16xf32>
    %swap3A_4 = vector.shape_cast %broadcast_in_dim3A_1 : vector<16xf32> to vector<16xf32>
    tpu.vector_store %arg5[%swap3A], %swap3A_4 {strides = array<i32>} : memref<128xf32, #tpu.memory_space<vmem>>, vector<16xf32>,
    %broadcast_in_dim3A_5 = arith.constant 1.000000e+00 : f32
    %broadcast_in_dim3A_6 = vector.broadcast %broadcast_in_dim3A_5 : f32 to vector<16xf32>
    %swap3A_7 = arith.constant 16 : index
    %swap3A_8 = tpu.vector_load %arg5[%swap3A_7] {strides = array<i32>} : memref<128xf32, #tpu.memory_space<vmem>>, vector<16xf32>,
    %swap3A_9 = vector.shape_cast %swap3A_8 : vector<16xf32> to vector<16xf32>
    %swap3A_10 = vector.shape_cast %broadcast_in_dim3A_6 : vector<16xf32> to vector<16xf32>
    tpu.vector_store %arg5[%swap3A_7], %swap3A_10 {strides = array<i32>} : memref<128xf32, #tpu.memory_space<vmem>>, vector<16xf32>,
    %broadcast_in_dim3A_11 = arith.constant 1.000000e+00 : f32
    %broadcast_in_dim3A_12 = vector.broadcast %broadcast_in_dim3A_11 : f32 to vector<16xf32>
    %swap3A_13 = arith.constant 32 : index
    %swap3A_14 = tpu.vector_load %arg5[%swap3A_13] {strides = array<i32>} : memref<128xf32, #tpu.memory_space<vmem>>, vector<16xf32>,
    %swap3A_15 = vector.shape_cast %swap3A_14 : vector<16xf32> to vector<16xf32>
    %swap3A_16 = vector.shape_cast %broadcast_in_dim3A_12 : vector<16xf32> to vector<16xf32>
    tpu.vector_store %arg5[%swap3A_13], %swap3A_16 {strides = array<i32>} : memref<128xf32, #tpu.memory_space<vmem>>, vector<16xf32>,
    %broadcast_in_dim3A_17 = arith.constant 1.000000e+00 : f32
    %broadcast_in_dim3A_18 = vector.broadcast %broadcast_in_dim3A_17 : f32 to vector<16xf32>
    %swap3A_19 = arith.constant 48 : index
    %swap3A_20 = tpu.vector_load %arg5[%swap3A_19] {strides = array<i32>} : memref<128xf32, #tpu.memory_space<vmem>>, vector<16xf32>,
    %swap3A_21 = vector.shape_cast %swap3A_20 : vector<16xf32> to vector<16xf32>
    %swap3A_22 = vector.shape_cast %broadcast_in_dim3A_18 : vector<16xf32> to vector<16xf32>
    tpu.vector_store %arg5[%swap3A_19], %swap3A_22 {strides = array<i32>} : memref<128xf32, #tpu.memory_space<vmem>>, vector<16xf32>,
    %broadcast_in_dim3A_23 = arith.constant 1.000000e+00 : f32
    %broadcast_in_dim3A_24 = vector.broadcast %broadcast_in_dim3A_23 : f32 to vector<16xf32>
    %swap3A_25 = arith.constant 64 : index
    %swap3A_26 = tpu.vector_load %arg5[%swap3A_25] {strides = array<i32>} : memref<128xf32, #tpu.memory_space<vmem>>, vector<16xf32>,
    %swap3A_27 = vector.shape_cast %swap3A_26 : vector<16xf32> to vector<16xf32>
    %swap3A_28 = vector.shape_cast %broadcast_in_dim3A_24 : vector<16xf32> to vector<16xf32>
    tpu.vector_store %arg5[%swap3A_25], %swap3A_28 {strides = array<i32>} : memref<128xf32, #tpu.memory_space<vmem>>, vector<16xf32>,
    %broadcast_in_dim3A_29 = arith.constant 1.000000e+00 : f32
    %broadcast_in_dim3A_30 = vector.broadcast %broadcast_in_dim3A_29 : f32 to vector<16xf32>
    %swap3A_31 = arith.constant 80 : index
    %swap3A_32 = tpu.vector_load %arg5[%swap3A_31] {strides = array<i32>} : memref<128xf32, #tpu.memory_space<vmem>>, vector<16xf32>,
    %swap3A_33 = vector.shape_cast %swap3A_32 : vector<16xf32> to vector<16xf32>
    %swap3A_34 = vector.shape_cast %broadcast_in_dim3A_30 : vector<16xf32> to vector<16xf32>
    tpu.vector_store %arg5[%swap3A_31], %swap3A_34 {strides = array<i32>} : memref<128xf32, #tpu.memory_space<vmem>>, vector<16xf32>,
    %broadcast_in_dim3A_35 = arith.constant 1.000000e+00 : f32
    %broadcast_in_dim3A_36 = vector.broadcast %broadcast_in_dim3A_35 : f32 to vector<16xf32>
    %swap3A_37 = arith.constant 96 : index
    %swap3A_38 = tpu.vector_load %arg5[%swap3A_37] {strides = array<i32>} : memref<128xf32, #tpu.memory_space<vmem>>, vector<16xf32>,
    %swap3A_39 = vector.shape_cast %swap3A_38 : vector<16xf32> to vector<16xf32>
    %swap3A_40 = vector.shape_cast %broadcast_in_dim3A_36 : vector<16xf32> to vector<16xf32>
    tpu.vector_store %arg5[%swap3A_37], %swap3A_40 {strides = array<i32>} : memref<128xf32, #tpu.memory_space<vmem>>, vector<16xf32>,
    %broadcast_in_dim3A_41 = arith.constant 1.000000e+00 : f32
    %broadcast_in_dim3A_42 = vector.broadcast %broadcast_in_dim3A_41 : f32 to vector<16xf32>
    %swap3A_43 = arith.constant 112 : index
    %swap3A_44 = tpu.vector_load %arg5[%swap3A_43] {strides = array<i32>} : memref<128xf32, #tpu.memory_space<vmem>>, vector<16xf32>,
    %swap3A_45 = vector.shape_cast %swap3A_44 : vector<16xf32> to vector<16xf32>
    %swap3A_46 = vector.shape_cast %broadcast_in_dim3A_42 : vector<16xf32> to vector<16xf32>
    tpu.vector_store %arg5[%swap3A_43], %swap3A_46 {strides = array<i32>} : memref<128xf32, #tpu.memory_space<vmem>>, vector<16xf32>,
    %scan3A = arith.constant 0 : i32
    %scan3A_47 = arith.constant 0 : i32
    %scan3A_48 = arith.constant 40 : i32
    %scan3A_49 = arith.addi %scan3A_47, %scan3A_48 : i32
    %scan3A_50 = arith.constant 1 : i32
    scf.for %scan3A_65 = %scan3A_47 to %scan3A_49 step %scan3A_50  : i32 {
      %broadcast_in_dim3A_66 = arith.constant 0.000000e+00 : f32
      %broadcast_in_dim3A_67 = vector.broadcast %broadcast_in_dim3A_66 : f32 to vector<16xf32>
      %mul3A_68 = arith.constant 16 : i32
      %mul3A_69 = arith.muli %scan3A_65, %mul3A_68 : i32
      %swap3A_70 = arith.index_cast %mul3A_69 : i32 to index
      %swap3A_71 = tpu.vector_load %arg6[%swap3A_70] {strides = array<i32>} : memref<640xf32, #tpu.memory_space<vmem>>, vector<16xf32>,
      %swap3A_72 = vector.shape_cast %swap3A_71 : vector<16xf32> to vector<16xf32>
      %swap3A_73 = vector.shape_cast %broadcast_in_dim3A_67 : vector<16xf32> to vector<16xf32>
      tpu.vector_store %arg6[%swap3A_70], %swap3A_73 {strides = array<i32>} : memref<640xf32, #tpu.memory_space<vmem>>, vector<16xf32>,
    }
    %scan3A_51 = arith.constant 40 : i32
    %mul3A_52 = arith.constant 640 : i32
    %mul3A_53 = arith.muli %arg1, %mul3A_52 : i32
    "tpu.region"() ({
      %run_scoped3A = tpu.sem_alloc : memref<!tpu.dma_semaphore, #tpu.memory_space<semaphore_mem>>
      %dma_start3A = tpu.memref_slice %arg7[%mul3A_53] : memref<10240xf32, #tpu.memory_space<vmem_shared>> -> memref<640xf32, #tpu.memory_space<vmem_shared>>
      %dma_start3A_65 = tpu.memref_slice %arg7[%mul3A_53] : memref<10240xf32, #tpu.memory_space<vmem_shared>> -> memref<640xf32, #tpu.memory_space<vmem_shared>>
      tpu.enqueue_dma source(%arg6 : memref<640xf32, #tpu.memory_space<vmem>>) target(%dma_start3A_65 : memref<640xf32, #tpu.memory_space<vmem_shared>>) target_semaphore(%run_scoped3A : memref<!tpu.dma_semaphore, #tpu.memory_space<semaphore_mem>>)
      %dma_wait3A = tpu.memref_slice %arg7[%mul3A_53] : memref<10240xf32, #tpu.memory_space<vmem_shared>> -> memref<640xf32, #tpu.memory_space<vmem_shared>>
      %dma_wait3A_66 = tpu.memref_slice %arg7[%mul3A_53] : memref<10240xf32, #tpu.memory_space<vmem_shared>> -> memref<640xf32, #tpu.memory_space<vmem_shared>>
      tpu.wait_dma2 semaphore(%run_scoped3A : memref<!tpu.dma_semaphore, #tpu.memory_space<semaphore_mem>>) src(%arg6 : memref<640xf32, #tpu.memory_space<vmem>>) dst(%dma_wait3A_66 : memref<640xf32, #tpu.memory_space<vmem_shared>>)
      tpu.yield
    }) : () -> ()
    %barrier3A = arith.constant 0 : index
    tpu.barrier barrier_id(%barrier3A)
    "tpu.region"() ({
      %run_scoped3A = tpu.sem_alloc : memref<!tpu.dma_semaphore, #tpu.memory_space<semaphore_mem>>
      %dma_start3A = arith.constant 0 : i32
      %dma_start3A_65 = arith.constant 0 : i32
      %dma_start3A_66 = tpu.memref_slice %arg2[%add3A, %dma_start3A, %dma_start3A_65] : memref<32x81x128xi32, #tpu.memory_space<hbm>> -> memref<1x81x128xi32, #tpu.memory_space<hbm>>
      %dma_start3A_67 = tpu.memref_squeeze %dma_start3A_66 : memref<1x81x128xi32, #tpu.memory_space<hbm>> -> memref<81x128xi32, #tpu.memory_space<hbm>>
      %dma_start3A_68 = arith.constant 0 : i32
      %dma_start3A_69 = arith.constant 0 : i32
      %dma_start3A_70 = tpu.memref_slice %arg2[%add3A, %dma_start3A_68, %dma_start3A_69] : memref<32x81x128xi32, #tpu.memory_space<hbm>> -> memref<1x81x128xi32, #tpu.memory_space<hbm>>
      %dma_start3A_71 = tpu.memref_squeeze %dma_start3A_70 : memref<1x81x128xi32, #tpu.memory_space<hbm>> -> memref<81x128xi32, #tpu.memory_space<hbm>>
      tpu.enqueue_dma source(%dma_start3A_71 : memref<81x128xi32, #tpu.memory_space<hbm>>) target(%arg4 : memref<81x128xi32, #tpu.memory_space<vmem>>) target_semaphore(%run_scoped3A : memref<!tpu.dma_semaphore, #tpu.memory_space<semaphore_mem>>)
      %dma_wait3A = arith.constant 0 : i32
      %dma_wait3A_72 = arith.constant 0 : i32
      %dma_wait3A_73 = tpu.memref_slice %arg2[%add3A, %dma_wait3A, %dma_wait3A_72] : memref<32x81x128xi32, #tpu.memory_space<hbm>> -> memref<1x81x128xi32, #tpu.memory_space<hbm>>
      %dma_wait3A_74 = tpu.memref_squeeze %dma_wait3A_73 : memref<1x81x128xi32, #tpu.memory_space<hbm>> -> memref<81x128xi32, #tpu.memory_space<hbm>>
      %dma_wait3A_75 = arith.constant 0 : i32
      %dma_wait3A_76 = arith.constant 0 : i32
      %dma_wait3A_77 = tpu.memref_slice %arg2[%add3A, %dma_wait3A_75, %dma_wait3A_76] : memref<32x81x128xi32, #tpu.memory_space<hbm>> -> memref<1x81x128xi32, #tpu.memory_space<hbm>>
      %dma_wait3A_78 = tpu.memref_squeeze %dma_wait3A_77 : memref<1x81x128xi32, #tpu.memory_space<hbm>> -> memref<81x128xi32, #tpu.memory_space<hbm>>
      tpu.wait_dma2 semaphore(%run_scoped3A : memref<!tpu.dma_semaphore, #tpu.memory_space<semaphore_mem>>) src(%dma_wait3A_78 : memref<81x128xi32, #tpu.memory_space<hbm>>) dst(%arg4 : memref<81x128xi32, #tpu.memory_space<vmem>>)
      tpu.yield
    }) : () -> ()
    %scan3A_54 = arith.constant 0 : i32
    %scan3A_55 = arith.constant 0 : i32
    %scan3A_56 = arith.constant 81 : i32
    %scan3A_57 = arith.addi %scan3A_55, %scan3A_56 : i32
    %scan3A_58 = arith.constant 1 : i32
    scf.for %scan3A_65 = %scan3A_55 to %scan3A_57 step %scan3A_58  : i32 {
      "tpu.region"() ({
        %run_scoped3A = tpu.sem_alloc : memref<!tpu.dma_semaphore, #tpu.memory_space<semaphore_mem>>
        %dma_start3A = arith.constant 0 : i32
        %dma_start3A_66 = tpu.memref_slice %arg4[%scan3A_65, %dma_start3A] : memref<81x128xi32, #tpu.memory_space<vmem>> -> memref<1x128xi32, #tpu.memory_space<vmem>>
        %dma_start3A_67 = tpu.memref_squeeze %dma_start3A_66 : memref<1x128xi32, #tpu.memory_space<vmem>> -> memref<128xi32, #tpu.memory_space<vmem>>
        %dma_start3A_68 = arith.constant 0 : i32
        %dma_start3A_69 = tpu.memref_slice %arg7[%dma_start3A_68] : memref<10240xf32, #tpu.memory_space<vmem_shared>> -> memref<10240xf32, #tpu.memory_space<vmem_shared>>
        tpu.enqueue_indirect_dma source(%arg5 : memref<128xf32, #tpu.memory_space<vmem>>) target(%dma_start3A_69 : memref<10240xf32, #tpu.memory_space<vmem_shared>>) offsets(%dma_start3A_67 : memref<128xi32, #tpu.memory_space<vmem>>) semaphore(%run_scoped3A : memref<!tpu.dma_semaphore, #tpu.memory_space<semaphore_mem>>) {add = true}
        %dma_wait3A = arith.constant 0 : i32
        %dma_wait3A_70 = tpu.memref_slice %arg4[%scan3A_65, %dma_wait3A] : memref<81x128xi32, #tpu.memory_space<vmem>> -> memref<1x128xi32, #tpu.memory_space<vmem>>
        %dma_wait3A_71 = tpu.memref_squeeze %dma_wait3A_70 : memref<1x128xi32, #tpu.memory_space<vmem>> -> memref<128xi32, #tpu.memory_space<vmem>>
        %dma_wait3A_72 = arith.constant 0 : i32
        %dma_wait3A_73 = tpu.memref_slice %arg7[%dma_wait3A_72] : memref<10240xf32, #tpu.memory_space<vmem_shared>> -> memref<10240xf32, #tpu.memory_space<vmem_shared>>
        tpu.wait_indirect_dma semaphore(%run_scoped3A : memref<!tpu.dma_semaphore, #tpu.memory_space<semaphore_mem>>) src(%arg5 : memref<128xf32, #tpu.memory_space<vmem>>) dst(%dma_wait3A_73 : memref<10240xf32, #tpu.memory_space<vmem_shared>>)
        tpu.yield
      }) : () -> ()
    }
    %scan3A_59 = arith.constant 81 : i32
    %barrier3A_60 = arith.constant 0 : index
    tpu.barrier barrier_id(%barrier3A_60)
    %mul3A_61 = arith.constant 640 : i32
    %mul3A_62 = arith.muli %arg1, %mul3A_61 : i32
    %mul3A_63 = arith.constant 640 : i32
    %mul3A_64 = arith.muli %arg1, %mul3A_63 : i32
    "tpu.region"() ({
      %run_scoped3A = tpu.sem_alloc : memref<!tpu.dma_semaphore, #tpu.memory_space<semaphore_mem>>
      %dma_start3A = tpu.memref_slice %arg3[%arg0, %mul3A_64] : memref<2x10240xf32, #tpu.memory_space<hbm>> -> memref<1x640xf32, #tpu.memory_space<hbm>>
      %dma_start3A_65 = tpu.memref_squeeze %dma_start3A : memref<1x640xf32, #tpu.memory_space<hbm>> -> memref<640xf32, #tpu.memory_space<hbm>>
      %dma_start3A_66 = tpu.memref_slice %arg7[%mul3A_62] : memref<10240xf32, #tpu.memory_space<vmem_shared>> -> memref<640xf32, #tpu.memory_space<vmem_shared>>
      tpu.enqueue_dma source(%dma_start3A_66 : memref<640xf32, #tpu.memory_space<vmem_shared>>) target(%dma_start3A_65 : memref<640xf32, #tpu.memory_space<hbm>>) target_semaphore(%run_scoped3A : memref<!tpu.dma_semaphore, #tpu.memory_space<semaphore_mem>>)
      %dma_wait3A = tpu.memref_slice %arg3[%arg0, %mul3A_64] : memref<2x10240xf32, #tpu.memory_space<hbm>> -> memref<1x640xf32, #tpu.memory_space<hbm>>
      %dma_wait3A_67 = tpu.memref_squeeze %dma_wait3A : memref<1x640xf32, #tpu.memory_space<hbm>> -> memref<640xf32, #tpu.memory_space<hbm>>
      %dma_wait3A_68 = tpu.memref_slice %arg7[%mul3A_62] : memref<10240xf32, #tpu.memory_space<vmem_shared>> -> memref<640xf32, #tpu.memory_space<vmem_shared>>
      tpu.wait_dma2 semaphore(%run_scoped3A : memref<!tpu.dma_semaphore, #tpu.memory_space<semaphore_mem>>) src(%dma_wait3A_68 : memref<640xf32, #tpu.memory_space<vmem_shared>>) dst(%dma_wait3A_67 : memref<640xf32, #tpu.memory_space<hbm>>)
      tpu.yield
    }) : () -> ()
    return
  }
}

#map = affine_map<(d0, d1) -> (0, 0)>
#map1 = affine_map<(d0, d1) -> (0, 0, 0)>
module attributes {stable_mosaic.version = 14 : i64} {
  func.func @agg_kernel(%arg0: i32, %arg1: i32, %arg2: memref<10240x128xf32, #tpu.memory_space<hbm>>, %arg3: memref<32x81x128xi32, #tpu.memory_space<hbm>>, %arg4: memref<32x81x128xi32, #tpu.memory_space<hbm>>, %arg5: memref<2x10240x128xf32, #tpu.memory_space<hbm>>, %arg6: memref<81x128xi32, #tpu.memory_space<vmem>>, %arg7: memref<81x128xi32, #tpu.memory_space<vmem>>, %arg8: memref<128x128xf32, #tpu.memory_space<vmem>>, %arg9: memref<10240x128xf32, #tpu.memory_space<vmem_shared>>, %arg10: memref<!tpu.dma_semaphore, #tpu.memory_space<semaphore_mem>>) attributes {dimension_semantics = [#tpu.dimension_semantics<core_parallel>, #tpu.dimension_semantics<subcore_parallel>], iteration_bounds = array<i64: 2, 16>, scalar_prefetch = 0 : i64, scratch_operands = 5 : i64, tpu.core_type = #tpu.core_type<sc_vector_subcore>, window_params = [{transform_indices = #map}, {transform_indices = #map1}, {transform_indices = #map1}, {transform_indices = #map1}]} {
    %mul3A = arith.constant 2 : i32
    %mul3A_0 = arith.muli %arg1, %mul3A : i32
    %add3A = arith.addi %mul3A_0, %arg0 : i32
    %scan3A = arith.constant 0 : i32
    %scan3A_1 = arith.constant 0 : i32
    %scan3A_2 = arith.constant 128 : i32
    %scan3A_3 = arith.addi %scan3A_1, %scan3A_2 : i32
    %scan3A_4 = arith.constant 1 : i32
    scf.for %scan3A_37 = %scan3A_1 to %scan3A_3 step %scan3A_4  : i32 {
      %broadcast_in_dim3A = arith.constant 0.000000e+00 : f32
      %broadcast_in_dim3A_38 = vector.broadcast %broadcast_in_dim3A : f32 to vector<16xf32>
      %swap3A = arith.index_cast %scan3A_37 : i32 to index
      %swap3A_39 = arith.constant 0 : index
      %swap3A_40 = tpu.vector_load %arg8[%swap3A, %swap3A_39] {strides = array<i32>} : memref<128x128xf32, #tpu.memory_space<vmem>>, vector<1x16xf32>,
      %swap3A_41 = vector.shape_cast %swap3A_40 : vector<1x16xf32> to vector<16xf32>
      %swap3A_42 = vector.shape_cast %broadcast_in_dim3A_38 : vector<16xf32> to vector<1x16xf32>
      tpu.vector_store %arg8[%swap3A, %swap3A_39], %swap3A_42 {strides = array<i32>} : memref<128x128xf32, #tpu.memory_space<vmem>>, vector<1x16xf32>,
      %broadcast_in_dim3A_43 = arith.constant 0.000000e+00 : f32
      %broadcast_in_dim3A_44 = vector.broadcast %broadcast_in_dim3A_43 : f32 to vector<16xf32>
      %swap3A_45 = arith.index_cast %scan3A_37 : i32 to index
      %swap3A_46 = arith.constant 16 : index
      %swap3A_47 = tpu.vector_load %arg8[%swap3A_45, %swap3A_46] {strides = array<i32>} : memref<128x128xf32, #tpu.memory_space<vmem>>, vector<1x16xf32>,
      %swap3A_48 = vector.shape_cast %swap3A_47 : vector<1x16xf32> to vector<16xf32>
      %swap3A_49 = vector.shape_cast %broadcast_in_dim3A_44 : vector<16xf32> to vector<1x16xf32>
      tpu.vector_store %arg8[%swap3A_45, %swap3A_46], %swap3A_49 {strides = array<i32>} : memref<128x128xf32, #tpu.memory_space<vmem>>, vector<1x16xf32>,
      %broadcast_in_dim3A_50 = arith.constant 0.000000e+00 : f32
      %broadcast_in_dim3A_51 = vector.broadcast %broadcast_in_dim3A_50 : f32 to vector<16xf32>
      %swap3A_52 = arith.index_cast %scan3A_37 : i32 to index
      %swap3A_53 = arith.constant 32 : index
      %swap3A_54 = tpu.vector_load %arg8[%swap3A_52, %swap3A_53] {strides = array<i32>} : memref<128x128xf32, #tpu.memory_space<vmem>>, vector<1x16xf32>,
      %swap3A_55 = vector.shape_cast %swap3A_54 : vector<1x16xf32> to vector<16xf32>
      %swap3A_56 = vector.shape_cast %broadcast_in_dim3A_51 : vector<16xf32> to vector<1x16xf32>
      tpu.vector_store %arg8[%swap3A_52, %swap3A_53], %swap3A_56 {strides = array<i32>} : memref<128x128xf32, #tpu.memory_space<vmem>>, vector<1x16xf32>,
      %broadcast_in_dim3A_57 = arith.constant 0.000000e+00 : f32
      %broadcast_in_dim3A_58 = vector.broadcast %broadcast_in_dim3A_57 : f32 to vector<16xf32>
      %swap3A_59 = arith.index_cast %scan3A_37 : i32 to index
      %swap3A_60 = arith.constant 48 : index
      %swap3A_61 = tpu.vector_load %arg8[%swap3A_59, %swap3A_60] {strides = array<i32>} : memref<128x128xf32, #tpu.memory_space<vmem>>, vector<1x16xf32>,
      %swap3A_62 = vector.shape_cast %swap3A_61 : vector<1x16xf32> to vector<16xf32>
      %swap3A_63 = vector.shape_cast %broadcast_in_dim3A_58 : vector<16xf32> to vector<1x16xf32>
      tpu.vector_store %arg8[%swap3A_59, %swap3A_60], %swap3A_63 {strides = array<i32>} : memref<128x128xf32, #tpu.memory_space<vmem>>, vector<1x16xf32>,
      %broadcast_in_dim3A_64 = arith.constant 0.000000e+00 : f32
      %broadcast_in_dim3A_65 = vector.broadcast %broadcast_in_dim3A_64 : f32 to vector<16xf32>
      %swap3A_66 = arith.index_cast %scan3A_37 : i32 to index
      %swap3A_67 = arith.constant 64 : index
      %swap3A_68 = tpu.vector_load %arg8[%swap3A_66, %swap3A_67] {strides = array<i32>} : memref<128x128xf32, #tpu.memory_space<vmem>>, vector<1x16xf32>,
      %swap3A_69 = vector.shape_cast %swap3A_68 : vector<1x16xf32> to vector<16xf32>
      %swap3A_70 = vector.shape_cast %broadcast_in_dim3A_65 : vector<16xf32> to vector<1x16xf32>
      tpu.vector_store %arg8[%swap3A_66, %swap3A_67], %swap3A_70 {strides = array<i32>} : memref<128x128xf32, #tpu.memory_space<vmem>>, vector<1x16xf32>,
      %broadcast_in_dim3A_71 = arith.constant 0.000000e+00 : f32
      %broadcast_in_dim3A_72 = vector.broadcast %broadcast_in_dim3A_71 : f32 to vector<16xf32>
      %swap3A_73 = arith.index_cast %scan3A_37 : i32 to index
      %swap3A_74 = arith.constant 80 : index
      %swap3A_75 = tpu.vector_load %arg8[%swap3A_73, %swap3A_74] {strides = array<i32>} : memref<128x128xf32, #tpu.memory_space<vmem>>, vector<1x16xf32>,
      %swap3A_76 = vector.shape_cast %swap3A_75 : vector<1x16xf32> to vector<16xf32>
      %swap3A_77 = vector.shape_cast %broadcast_in_dim3A_72 : vector<16xf32> to vector<1x16xf32>
      tpu.vector_store %arg8[%swap3A_73, %swap3A_74], %swap3A_77 {strides = array<i32>} : memref<128x128xf32, #tpu.memory_space<vmem>>, vector<1x16xf32>,
      %broadcast_in_dim3A_78 = arith.constant 0.000000e+00 : f32
      %broadcast_in_dim3A_79 = vector.broadcast %broadcast_in_dim3A_78 : f32 to vector<16xf32>
      %swap3A_80 = arith.index_cast %scan3A_37 : i32 to index
      %swap3A_81 = arith.constant 96 : index
      %swap3A_82 = tpu.vector_load %arg8[%swap3A_80, %swap3A_81] {strides = array<i32>} : memref<128x128xf32, #tpu.memory_space<vmem>>, vector<1x16xf32>,
      %swap3A_83 = vector.shape_cast %swap3A_82 : vector<1x16xf32> to vector<16xf32>
      %swap3A_84 = vector.shape_cast %broadcast_in_dim3A_79 : vector<16xf32> to vector<1x16xf32>
      tpu.vector_store %arg8[%swap3A_80, %swap3A_81], %swap3A_84 {strides = array<i32>} : memref<128x128xf32, #tpu.memory_space<vmem>>, vector<1x16xf32>,
      %broadcast_in_dim3A_85 = arith.constant 0.000000e+00 : f32
      %broadcast_in_dim3A_86 = vector.broadcast %broadcast_in_dim3A_85 : f32 to vector<16xf32>
      %swap3A_87 = arith.index_cast %scan3A_37 : i32 to index
      %swap3A_88 = arith.constant 112 : index
      %swap3A_89 = tpu.vector_load %arg8[%swap3A_87, %swap3A_88] {strides = array<i32>} : memref<128x128xf32, #tpu.memory_space<vmem>>, vector<1x16xf32>,
      %swap3A_90 = vector.shape_cast %swap3A_89 : vector<1x16xf32> to vector<16xf32>
      %swap3A_91 = vector.shape_cast %broadcast_in_dim3A_86 : vector<16xf32> to vector<1x16xf32>
      tpu.vector_store %arg8[%swap3A_87, %swap3A_88], %swap3A_91 {strides = array<i32>} : memref<128x128xf32, #tpu.memory_space<vmem>>, vector<1x16xf32>,
    }
    %scan3A_5 = arith.constant 128 : i32
    %mul3A_6 = arith.constant 640 : i32
    %mul3A_7 = arith.muli %arg1, %mul3A_6 : i32
    %add3A_8 = arith.constant 0 : i32
    %add3A_9 = arith.addi %mul3A_7, %add3A_8 : i32
    "tpu.region"() ({
      %run_scoped3A = tpu.sem_alloc : memref<!tpu.dma_semaphore, #tpu.memory_space<semaphore_mem>>
      %dma_start3A = arith.constant 0 : i32
      %dma_start3A_37 = tpu.memref_slice %arg9[%add3A_9, %dma_start3A] : memref<10240x128xf32, #tpu.memory_space<vmem_shared>> -> memref<128x128xf32, #tpu.memory_space<vmem_shared>>
      %dma_start3A_38 = arith.constant 0 : i32
      %dma_start3A_39 = tpu.memref_slice %arg9[%add3A_9, %dma_start3A_38] : memref<10240x128xf32, #tpu.memory_space<vmem_shared>> -> memref<128x128xf32, #tpu.memory_space<vmem_shared>>
      tpu.enqueue_dma source(%arg8 : memref<128x128xf32, #tpu.memory_space<vmem>>) target(%dma_start3A_39 : memref<128x128xf32, #tpu.memory_space<vmem_shared>>) target_semaphore(%run_scoped3A : memref<!tpu.dma_semaphore, #tpu.memory_space<semaphore_mem>>)
      %dma_wait3A = arith.constant 0 : i32
      %dma_wait3A_40 = tpu.memref_slice %arg9[%add3A_9, %dma_wait3A] : memref<10240x128xf32, #tpu.memory_space<vmem_shared>> -> memref<128x128xf32, #tpu.memory_space<vmem_shared>>
      %dma_wait3A_41 = arith.constant 0 : i32
      %dma_wait3A_42 = tpu.memref_slice %arg9[%add3A_9, %dma_wait3A_41] : memref<10240x128xf32, #tpu.memory_space<vmem_shared>> -> memref<128x128xf32, #tpu.memory_space<vmem_shared>>
      tpu.wait_dma2 semaphore(%run_scoped3A : memref<!tpu.dma_semaphore, #tpu.memory_space<semaphore_mem>>) src(%arg8 : memref<128x128xf32, #tpu.memory_space<vmem>>) dst(%dma_wait3A_42 : memref<128x128xf32, #tpu.memory_space<vmem_shared>>)
      tpu.yield
    }) : () -> ()
    %mul3A_10 = arith.constant 640 : i32
    %mul3A_11 = arith.muli %arg1, %mul3A_10 : i32
    %add3A_12 = arith.constant 128 : i32
    %add3A_13 = arith.addi %mul3A_11, %add3A_12 : i32
    "tpu.region"() ({
      %run_scoped3A = tpu.sem_alloc : memref<!tpu.dma_semaphore, #tpu.memory_space<semaphore_mem>>
      %dma_start3A = arith.constant 0 : i32
      %dma_start3A_37 = tpu.memref_slice %arg9[%add3A_13, %dma_start3A] : memref<10240x128xf32, #tpu.memory_space<vmem_shared>> -> memref<128x128xf32, #tpu.memory_space<vmem_shared>>
      %dma_start3A_38 = arith.constant 0 : i32
      %dma_start3A_39 = tpu.memref_slice %arg9[%add3A_13, %dma_start3A_38] : memref<10240x128xf32, #tpu.memory_space<vmem_shared>> -> memref<128x128xf32, #tpu.memory_space<vmem_shared>>
      tpu.enqueue_dma source(%arg8 : memref<128x128xf32, #tpu.memory_space<vmem>>) target(%dma_start3A_39 : memref<128x128xf32, #tpu.memory_space<vmem_shared>>) target_semaphore(%run_scoped3A : memref<!tpu.dma_semaphore, #tpu.memory_space<semaphore_mem>>)
      %dma_wait3A = arith.constant 0 : i32
      %dma_wait3A_40 = tpu.memref_slice %arg9[%add3A_13, %dma_wait3A] : memref<10240x128xf32, #tpu.memory_space<vmem_shared>> -> memref<128x128xf32, #tpu.memory_space<vmem_shared>>
      %dma_wait3A_41 = arith.constant 0 : i32
      %dma_wait3A_42 = tpu.memref_slice %arg9[%add3A_13, %dma_wait3A_41] : memref<10240x128xf32, #tpu.memory_space<vmem_shared>> -> memref<128x128xf32, #tpu.memory_space<vmem_shared>>
      tpu.wait_dma2 semaphore(%run_scoped3A : memref<!tpu.dma_semaphore, #tpu.memory_space<semaphore_mem>>) src(%arg8 : memref<128x128xf32, #tpu.memory_space<vmem>>) dst(%dma_wait3A_42 : memref<128x128xf32, #tpu.memory_space<vmem_shared>>)
      tpu.yield
    }) : () -> ()
    %mul3A_14 = arith.constant 640 : i32
    %mul3A_15 = arith.muli %arg1, %mul3A_14 : i32
    %add3A_16 = arith.constant 256 : i32
    %add3A_17 = arith.addi %mul3A_15, %add3A_16 : i32
    "tpu.region"() ({
      %run_scoped3A = tpu.sem_alloc : memref<!tpu.dma_semaphore, #tpu.memory_space<semaphore_mem>>
      %dma_start3A = arith.constant 0 : i32
      %dma_start3A_37 = tpu.memref_slice %arg9[%add3A_17, %dma_start3A] : memref<10240x128xf32, #tpu.memory_space<vmem_shared>> -> memref<128x128xf32, #tpu.memory_space<vmem_shared>>
      %dma_start3A_38 = arith.constant 0 : i32
      %dma_start3A_39 = tpu.memref_slice %arg9[%add3A_17, %dma_start3A_38] : memref<10240x128xf32, #tpu.memory_space<vmem_shared>> -> memref<128x128xf32, #tpu.memory_space<vmem_shared>>
      tpu.enqueue_dma source(%arg8 : memref<128x128xf32, #tpu.memory_space<vmem>>) target(%dma_start3A_39 : memref<128x128xf32, #tpu.memory_space<vmem_shared>>) target_semaphore(%run_scoped3A : memref<!tpu.dma_semaphore, #tpu.memory_space<semaphore_mem>>)
      %dma_wait3A = arith.constant 0 : i32
      %dma_wait3A_40 = tpu.memref_slice %arg9[%add3A_17, %dma_wait3A] : memref<10240x128xf32, #tpu.memory_space<vmem_shared>> -> memref<128x128xf32, #tpu.memory_space<vmem_shared>>
      %dma_wait3A_41 = arith.constant 0 : i32
      %dma_wait3A_42 = tpu.memref_slice %arg9[%add3A_17, %dma_wait3A_41] : memref<10240x128xf32, #tpu.memory_space<vmem_shared>> -> memref<128x128xf32, #tpu.memory_space<vmem_shared>>
      tpu.wait_dma2 semaphore(%run_scoped3A : memref<!tpu.dma_semaphore, #tpu.memory_space<semaphore_mem>>) src(%arg8 : memref<128x128xf32, #tpu.memory_space<vmem>>) dst(%dma_wait3A_42 : memref<128x128xf32, #tpu.memory_space<vmem_shared>>)
      tpu.yield
    }) : () -> ()
    %mul3A_18 = arith.constant 640 : i32
    %mul3A_19 = arith.muli %arg1, %mul3A_18 : i32
    %add3A_20 = arith.constant 384 : i32
    %add3A_21 = arith.addi %mul3A_19, %add3A_20 : i32
    "tpu.region"() ({
      %run_scoped3A = tpu.sem_alloc : memref<!tpu.dma_semaphore, #tpu.memory_space<semaphore_mem>>
      %dma_start3A = arith.constant 0 : i32
      %dma_start3A_37 = tpu.memref_slice %arg9[%add3A_21, %dma_start3A] : memref<10240x128xf32, #tpu.memory_space<vmem_shared>> -> memref<128x128xf32, #tpu.memory_space<vmem_shared>>
      %dma_start3A_38 = arith.constant 0 : i32
      %dma_start3A_39 = tpu.memref_slice %arg9[%add3A_21, %dma_start3A_38] : memref<10240x128xf32, #tpu.memory_space<vmem_shared>> -> memref<128x128xf32, #tpu.memory_space<vmem_shared>>
      tpu.enqueue_dma source(%arg8 : memref<128x128xf32, #tpu.memory_space<vmem>>) target(%dma_start3A_39 : memref<128x128xf32, #tpu.memory_space<vmem_shared>>) target_semaphore(%run_scoped3A : memref<!tpu.dma_semaphore, #tpu.memory_space<semaphore_mem>>)
      %dma_wait3A = arith.constant 0 : i32
      %dma_wait3A_40 = tpu.memref_slice %arg9[%add3A_21, %dma_wait3A] : memref<10240x128xf32, #tpu.memory_space<vmem_shared>> -> memref<128x128xf32, #tpu.memory_space<vmem_shared>>
      %dma_wait3A_41 = arith.constant 0 : i32
      %dma_wait3A_42 = tpu.memref_slice %arg9[%add3A_21, %dma_wait3A_41] : memref<10240x128xf32, #tpu.memory_space<vmem_shared>> -> memref<128x128xf32, #tpu.memory_space<vmem_shared>>
      tpu.wait_dma2 semaphore(%run_scoped3A : memref<!tpu.dma_semaphore, #tpu.memory_space<semaphore_mem>>) src(%arg8 : memref<128x128xf32, #tpu.memory_space<vmem>>) dst(%dma_wait3A_42 : memref<128x128xf32, #tpu.memory_space<vmem_shared>>)
      tpu.yield
    }) : () -> ()
    %mul3A_22 = arith.constant 640 : i32
    %mul3A_23 = arith.muli %arg1, %mul3A_22 : i32
    %add3A_24 = arith.constant 512 : i32
    %add3A_25 = arith.addi %mul3A_23, %add3A_24 : i32
    "tpu.region"() ({
      %run_scoped3A = tpu.sem_alloc : memref<!tpu.dma_semaphore, #tpu.memory_space<semaphore_mem>>
      %dma_start3A = arith.constant 0 : i32
      %dma_start3A_37 = tpu.memref_slice %arg9[%add3A_25, %dma_start3A] : memref<10240x128xf32, #tpu.memory_space<vmem_shared>> -> memref<128x128xf32, #tpu.memory_space<vmem_shared>>
      %dma_start3A_38 = arith.constant 0 : i32
      %dma_start3A_39 = tpu.memref_slice %arg9[%add3A_25, %dma_start3A_38] : memref<10240x128xf32, #tpu.memory_space<vmem_shared>> -> memref<128x128xf32, #tpu.memory_space<vmem_shared>>
      tpu.enqueue_dma source(%arg8 : memref<128x128xf32, #tpu.memory_space<vmem>>) target(%dma_start3A_39 : memref<128x128xf32, #tpu.memory_space<vmem_shared>>) target_semaphore(%run_scoped3A : memref<!tpu.dma_semaphore, #tpu.memory_space<semaphore_mem>>)
      %dma_wait3A = arith.constant 0 : i32
      %dma_wait3A_40 = tpu.memref_slice %arg9[%add3A_25, %dma_wait3A] : memref<10240x128xf32, #tpu.memory_space<vmem_shared>> -> memref<128x128xf32, #tpu.memory_space<vmem_shared>>
      %dma_wait3A_41 = arith.constant 0 : i32
      %dma_wait3A_42 = tpu.memref_slice %arg9[%add3A_25, %dma_wait3A_41] : memref<10240x128xf32, #tpu.memory_space<vmem_shared>> -> memref<128x128xf32, #tpu.memory_space<vmem_shared>>
      tpu.wait_dma2 semaphore(%run_scoped3A : memref<!tpu.dma_semaphore, #tpu.memory_space<semaphore_mem>>) src(%arg8 : memref<128x128xf32, #tpu.memory_space<vmem>>) dst(%dma_wait3A_42 : memref<128x128xf32, #tpu.memory_space<vmem_shared>>)
      tpu.yield
    }) : () -> ()
    %barrier3A = arith.constant 0 : index
    tpu.barrier barrier_id(%barrier3A)
    "tpu.region"() ({
      %run_scoped3A = tpu.sem_alloc : memref<!tpu.dma_semaphore, #tpu.memory_space<semaphore_mem>>
      %dma_start3A = arith.constant 0 : i32
      %dma_start3A_37 = arith.constant 0 : i32
      %dma_start3A_38 = tpu.memref_slice %arg3[%add3A, %dma_start3A, %dma_start3A_37] : memref<32x81x128xi32, #tpu.memory_space<hbm>> -> memref<1x81x128xi32, #tpu.memory_space<hbm>>
      %dma_start3A_39 = tpu.memref_squeeze %dma_start3A_38 : memref<1x81x128xi32, #tpu.memory_space<hbm>> -> memref<81x128xi32, #tpu.memory_space<hbm>>
      %dma_start3A_40 = arith.constant 0 : i32
      %dma_start3A_41 = arith.constant 0 : i32
      %dma_start3A_42 = tpu.memref_slice %arg3[%add3A, %dma_start3A_40, %dma_start3A_41] : memref<32x81x128xi32, #tpu.memory_space<hbm>> -> memref<1x81x128xi32, #tpu.memory_space<hbm>>
      %dma_start3A_43 = tpu.memref_squeeze %dma_start3A_42 : memref<1x81x128xi32, #tpu.memory_space<hbm>> -> memref<81x128xi32, #tpu.memory_space<hbm>>
      tpu.enqueue_dma source(%dma_start3A_43 : memref<81x128xi32, #tpu.memory_space<hbm>>) target(%arg6 : memref<81x128xi32, #tpu.memory_space<vmem>>) target_semaphore(%run_scoped3A : memref<!tpu.dma_semaphore, #tpu.memory_space<semaphore_mem>>)
      %dma_wait3A = arith.constant 0 : i32
      %dma_wait3A_44 = arith.constant 0 : i32
      %dma_wait3A_45 = tpu.memref_slice %arg3[%add3A, %dma_wait3A, %dma_wait3A_44] : memref<32x81x128xi32, #tpu.memory_space<hbm>> -> memref<1x81x128xi32, #tpu.memory_space<hbm>>
      %dma_wait3A_46 = tpu.memref_squeeze %dma_wait3A_45 : memref<1x81x128xi32, #tpu.memory_space<hbm>> -> memref<81x128xi32, #tpu.memory_space<hbm>>
      %dma_wait3A_47 = arith.constant 0 : i32
      %dma_wait3A_48 = arith.constant 0 : i32
      %dma_wait3A_49 = tpu.memref_slice %arg3[%add3A, %dma_wait3A_47, %dma_wait3A_48] : memref<32x81x128xi32, #tpu.memory_space<hbm>> -> memref<1x81x128xi32, #tpu.memory_space<hbm>>
      %dma_wait3A_50 = tpu.memref_squeeze %dma_wait3A_49 : memref<1x81x128xi32, #tpu.memory_space<hbm>> -> memref<81x128xi32, #tpu.memory_space<hbm>>
      tpu.wait_dma2 semaphore(%run_scoped3A : memref<!tpu.dma_semaphore, #tpu.memory_space<semaphore_mem>>) src(%dma_wait3A_50 : memref<81x128xi32, #tpu.memory_space<hbm>>) dst(%arg6 : memref<81x128xi32, #tpu.memory_space<vmem>>)
      tpu.yield
    }) : () -> ()
    "tpu.region"() ({
      %run_scoped3A = tpu.sem_alloc : memref<!tpu.dma_semaphore, #tpu.memory_space<semaphore_mem>>
      %dma_start3A = arith.constant 0 : i32
      %dma_start3A_37 = arith.constant 0 : i32
      %dma_start3A_38 = tpu.memref_slice %arg4[%add3A, %dma_start3A, %dma_start3A_37] : memref<32x81x128xi32, #tpu.memory_space<hbm>> -> memref<1x81x128xi32, #tpu.memory_space<hbm>>
      %dma_start3A_39 = tpu.memref_squeeze %dma_start3A_38 : memref<1x81x128xi32, #tpu.memory_space<hbm>> -> memref<81x128xi32, #tpu.memory_space<hbm>>
      %dma_start3A_40 = arith.constant 0 : i32
      %dma_start3A_41 = arith.constant 0 : i32
      %dma_start3A_42 = tpu.memref_slice %arg4[%add3A, %dma_start3A_40, %dma_start3A_41] : memref<32x81x128xi32, #tpu.memory_space<hbm>> -> memref<1x81x128xi32, #tpu.memory_space<hbm>>
      %dma_start3A_43 = tpu.memref_squeeze %dma_start3A_42 : memref<1x81x128xi32, #tpu.memory_space<hbm>> -> memref<81x128xi32, #tpu.memory_space<hbm>>
      tpu.enqueue_dma source(%dma_start3A_43 : memref<81x128xi32, #tpu.memory_space<hbm>>) target(%arg7 : memref<81x128xi32, #tpu.memory_space<vmem>>) target_semaphore(%run_scoped3A : memref<!tpu.dma_semaphore, #tpu.memory_space<semaphore_mem>>)
      %dma_wait3A = arith.constant 0 : i32
      %dma_wait3A_44 = arith.constant 0 : i32
      %dma_wait3A_45 = tpu.memref_slice %arg4[%add3A, %dma_wait3A, %dma_wait3A_44] : memref<32x81x128xi32, #tpu.memory_space<hbm>> -> memref<1x81x128xi32, #tpu.memory_space<hbm>>
      %dma_wait3A_46 = tpu.memref_squeeze %dma_wait3A_45 : memref<1x81x128xi32, #tpu.memory_space<hbm>> -> memref<81x128xi32, #tpu.memory_space<hbm>>
      %dma_wait3A_47 = arith.constant 0 : i32
      %dma_wait3A_48 = arith.constant 0 : i32
      %dma_wait3A_49 = tpu.memref_slice %arg4[%add3A, %dma_wait3A_47, %dma_wait3A_48] : memref<32x81x128xi32, #tpu.memory_space<hbm>> -> memref<1x81x128xi32, #tpu.memory_space<hbm>>
      %dma_wait3A_50 = tpu.memref_squeeze %dma_wait3A_49 : memref<1x81x128xi32, #tpu.memory_space<hbm>> -> memref<81x128xi32, #tpu.memory_space<hbm>>
      tpu.wait_dma2 semaphore(%run_scoped3A : memref<!tpu.dma_semaphore, #tpu.memory_space<semaphore_mem>>) src(%dma_wait3A_50 : memref<81x128xi32, #tpu.memory_space<hbm>>) dst(%arg7 : memref<81x128xi32, #tpu.memory_space<vmem>>)
      tpu.yield
    }) : () -> ()
    %scan3A_26 = arith.constant 0 : i32
    %scan3A_27 = arith.constant 0 : i32
    %scan3A_28 = arith.constant 81 : i32
    %scan3A_29 = arith.addi %scan3A_27, %scan3A_28 : i32
    %scan3A_30 = arith.constant 1 : i32
    scf.for %scan3A_37 = %scan3A_27 to %scan3A_29 step %scan3A_30  : i32 {
      %dma_start3A = arith.constant 0 : i32
      %dma_start3A_38 = tpu.memref_slice %arg6[%scan3A_37, %dma_start3A] : memref<81x128xi32, #tpu.memory_space<vmem>> -> memref<1x128xi32, #tpu.memory_space<vmem>>
      %dma_start3A_39 = tpu.memref_squeeze %dma_start3A_38 : memref<1x128xi32, #tpu.memory_space<vmem>> -> memref<128xi32, #tpu.memory_space<vmem>>
      %dma_start3A_40 = arith.constant 0 : i32
      %dma_start3A_41 = arith.constant 0 : i32
      %dma_start3A_42 = tpu.memref_slice %arg2[%dma_start3A_40, %dma_start3A_41] : memref<10240x128xf32, #tpu.memory_space<hbm>> -> memref<10240x128xf32, #tpu.memory_space<hbm>>
      tpu.enqueue_indirect_dma source(%dma_start3A_42 : memref<10240x128xf32, #tpu.memory_space<hbm>>) target(%arg8 : memref<128x128xf32, #tpu.memory_space<vmem>>) offsets(%dma_start3A_39 : memref<128xi32, #tpu.memory_space<vmem>>) semaphore(%arg10 : memref<!tpu.dma_semaphore, #tpu.memory_space<semaphore_mem>>)
      %dma_wait3A = arith.constant 0 : i32
      %dma_wait3A_43 = tpu.memref_slice %arg6[%scan3A_37, %dma_wait3A] : memref<81x128xi32, #tpu.memory_space<vmem>> -> memref<1x128xi32, #tpu.memory_space<vmem>>
      %dma_wait3A_44 = tpu.memref_squeeze %dma_wait3A_43 : memref<1x128xi32, #tpu.memory_space<vmem>> -> memref<128xi32, #tpu.memory_space<vmem>>
      %dma_wait3A_45 = arith.constant 0 : i32
      %dma_wait3A_46 = arith.constant 0 : i32
      %dma_wait3A_47 = tpu.memref_slice %arg2[%dma_wait3A_45, %dma_wait3A_46] : memref<10240x128xf32, #tpu.memory_space<hbm>> -> memref<10240x128xf32, #tpu.memory_space<hbm>>
      tpu.wait_indirect_dma semaphore(%arg10 : memref<!tpu.dma_semaphore, #tpu.memory_space<semaphore_mem>>) src(%dma_wait3A_47 : memref<10240x128xf32, #tpu.memory_space<hbm>>) dst(%arg8 : memref<128x128xf32, #tpu.memory_space<vmem>>)
      "tpu.region"() ({
        %run_scoped3A = tpu.sem_alloc : memref<!tpu.dma_semaphore, #tpu.memory_space<semaphore_mem>>
        %dma_start3A_48 = arith.constant 0 : i32
        %dma_start3A_49 = tpu.memref_slice %arg7[%scan3A_37, %dma_start3A_48] : memref<81x128xi32, #tpu.memory_space<vmem>> -> memref<1x128xi32, #tpu.memory_space<vmem>>
        %dma_start3A_50 = tpu.memref_squeeze %dma_start3A_49 : memref<1x128xi32, #tpu.memory_space<vmem>> -> memref<128xi32, #tpu.memory_space<vmem>>
        %dma_start3A_51 = arith.constant 0 : i32
        %dma_start3A_52 = arith.constant 0 : i32
        %dma_start3A_53 = tpu.memref_slice %arg9[%dma_start3A_51, %dma_start3A_52] : memref<10240x128xf32, #tpu.memory_space<vmem_shared>> -> memref<10240x128xf32, #tpu.memory_space<vmem_shared>>
        tpu.enqueue_indirect_dma source(%arg8 : memref<128x128xf32, #tpu.memory_space<vmem>>) target(%dma_start3A_53 : memref<10240x128xf32, #tpu.memory_space<vmem_shared>>) offsets(%dma_start3A_50 : memref<128xi32, #tpu.memory_space<vmem>>) semaphore(%run_scoped3A : memref<!tpu.dma_semaphore, #tpu.memory_space<semaphore_mem>>) {add = true}
        %dma_wait3A_54 = arith.constant 0 : i32
        %dma_wait3A_55 = tpu.memref_slice %arg7[%scan3A_37, %dma_wait3A_54] : memref<81x128xi32, #tpu.memory_space<vmem>> -> memref<1x128xi32, #tpu.memory_space<vmem>>
        %dma_wait3A_56 = tpu.memref_squeeze %dma_wait3A_55 : memref<1x128xi32, #tpu.memory_space<vmem>> -> memref<128xi32, #tpu.memory_space<vmem>>
        %dma_wait3A_57 = arith.constant 0 : i32
        %dma_wait3A_58 = arith.constant 0 : i32
        %dma_wait3A_59 = tpu.memref_slice %arg9[%dma_wait3A_57, %dma_wait3A_58] : memref<10240x128xf32, #tpu.memory_space<vmem_shared>> -> memref<10240x128xf32, #tpu.memory_space<vmem_shared>>
        tpu.wait_indirect_dma semaphore(%run_scoped3A : memref<!tpu.dma_semaphore, #tpu.memory_space<semaphore_mem>>) src(%arg8 : memref<128x128xf32, #tpu.memory_space<vmem>>) dst(%dma_wait3A_59 : memref<10240x128xf32, #tpu.memory_space<vmem_shared>>)
        tpu.yield
      }) : () -> ()
    }
    %scan3A_31 = arith.constant 81 : i32
    %barrier3A_32 = arith.constant 0 : index
    tpu.barrier barrier_id(%barrier3A_32)
    %mul3A_33 = arith.constant 640 : i32
    %mul3A_34 = arith.muli %arg1, %mul3A_33 : i32
    %mul3A_35 = arith.constant 640 : i32
    %mul3A_36 = arith.muli %arg1, %mul3A_35 : i32
    "tpu.region"() ({
      %run_scoped3A = tpu.sem_alloc : memref<!tpu.dma_semaphore, #tpu.memory_space<semaphore_mem>>
      %dma_start3A = arith.constant 0 : i32
      %dma_start3A_37 = tpu.memref_slice %arg5[%arg0, %mul3A_36, %dma_start3A] : memref<2x10240x128xf32, #tpu.memory_space<hbm>> -> memref<1x640x128xf32, #tpu.memory_space<hbm>>
      %dma_start3A_38 = tpu.memref_squeeze %dma_start3A_37 : memref<1x640x128xf32, #tpu.memory_space<hbm>> -> memref<640x128xf32, #tpu.memory_space<hbm>>
      %dma_start3A_39 = arith.constant 0 : i32
      %dma_start3A_40 = tpu.memref_slice %arg9[%mul3A_34, %dma_start3A_39] : memref<10240x128xf32, #tpu.memory_space<vmem_shared>> -> memref<640x128xf32, #tpu.memory_space<vmem_shared>>
      tpu.enqueue_dma source(%dma_start3A_40 : memref<640x128xf32, #tpu.memory_space<vmem_shared>>) target(%dma_start3A_38 : memref<640x128xf32, #tpu.memory_space<hbm>>) target_semaphore(%run_scoped3A : memref<!tpu.dma_semaphore, #tpu.memory_space<semaphore_mem>>)
      %dma_wait3A = arith.constant 0 : i32
      %dma_wait3A_41 = tpu.memref_slice %arg5[%arg0, %mul3A_36, %dma_wait3A] : memref<2x10240x128xf32, #tpu.memory_space<hbm>> -> memref<1x640x128xf32, #tpu.memory_space<hbm>>
      %dma_wait3A_42 = tpu.memref_squeeze %dma_wait3A_41 : memref<1x640x128xf32, #tpu.memory_space<hbm>> -> memref<640x128xf32, #tpu.memory_space<hbm>>
      %dma_wait3A_43 = arith.constant 0 : i32
      %dma_wait3A_44 = tpu.memref_slice %arg9[%mul3A_34, %dma_wait3A_43] : memref<10240x128xf32, #tpu.memory_space<vmem_shared>> -> memref<640x128xf32, #tpu.memory_space<vmem_shared>>
      tpu.wait_dma2 semaphore(%run_scoped3A : memref<!tpu.dma_semaphore, #tpu.memory_space<semaphore_mem>>) src(%dma_wait3A_44 : memref<640x128xf32, #tpu.memory_space<vmem_shared>>) dst(%dma_wait3A_42 : memref<640x128xf32, #tpu.memory_space<hbm>>)
      tpu.yield
    }) : () -> ()
    return
  }
}

#map = affine_map<(d0, d1) -> (0, 0)>
#map1 = affine_map<(d0, d1) -> (0, 0, 0)>
module attributes {stable_mosaic.version = 14 : i64} {
  func.func @agg_kernel(%arg0: i32, %arg1: i32, %arg2: memref<10240x128xf32, #tpu.memory_space<hbm>>, %arg3: memref<32x81x128xi32, #tpu.memory_space<hbm>>, %arg4: memref<32x81x128xi32, #tpu.memory_space<hbm>>, %arg5: memref<2x10240x128xf32, #tpu.memory_space<hbm>>, %arg6: memref<81x128xi32, #tpu.memory_space<vmem>>, %arg7: memref<81x128xi32, #tpu.memory_space<vmem>>, %arg8: memref<128x128xf32, #tpu.memory_space<vmem>>, %arg9: memref<10240x128xf32, #tpu.memory_space<vmem_shared>>, %arg10: memref<!tpu.dma_semaphore, #tpu.memory_space<semaphore_mem>>) attributes {dimension_semantics = [#tpu.dimension_semantics<core_parallel>, #tpu.dimension_semantics<subcore_parallel>], iteration_bounds = array<i64: 2, 16>, scalar_prefetch = 0 : i64, scratch_operands = 5 : i64, tpu.core_type = #tpu.core_type<sc_vector_subcore>, window_params = [{transform_indices = #map}, {transform_indices = #map1}, {transform_indices = #map1}, {transform_indices = #map1}]} {
    %mul3A = arith.constant 2 : i32
    %mul3A_0 = arith.muli %arg1, %mul3A : i32
    %add3A = arith.addi %mul3A_0, %arg0 : i32
    %scan3A = arith.constant 0 : i32
    %scan3A_1 = arith.constant 0 : i32
    %scan3A_2 = arith.constant 128 : i32
    %scan3A_3 = arith.addi %scan3A_1, %scan3A_2 : i32
    %scan3A_4 = arith.constant 1 : i32
    scf.for %scan3A_37 = %scan3A_1 to %scan3A_3 step %scan3A_4  : i32 {
      %broadcast_in_dim3A = arith.constant 0.000000e+00 : f32
      %broadcast_in_dim3A_38 = vector.broadcast %broadcast_in_dim3A : f32 to vector<16xf32>
      %swap3A = arith.index_cast %scan3A_37 : i32 to index
      %swap3A_39 = arith.constant 0 : index
      %swap3A_40 = tpu.vector_load %arg8[%swap3A, %swap3A_39] {strides = array<i32>} : memref<128x128xf32, #tpu.memory_space<vmem>>, vector<1x16xf32>,
      %swap3A_41 = vector.shape_cast %swap3A_40 : vector<1x16xf32> to vector<16xf32>
      %swap3A_42 = vector.shape_cast %broadcast_in_dim3A_38 : vector<16xf32> to vector<1x16xf32>
      tpu.vector_store %arg8[%swap3A, %swap3A_39], %swap3A_42 {strides = array<i32>} : memref<128x128xf32, #tpu.memory_space<vmem>>, vector<1x16xf32>,
      %broadcast_in_dim3A_43 = arith.constant 0.000000e+00 : f32
      %broadcast_in_dim3A_44 = vector.broadcast %broadcast_in_dim3A_43 : f32 to vector<16xf32>
      %swap3A_45 = arith.index_cast %scan3A_37 : i32 to index
      %swap3A_46 = arith.constant 16 : index
      %swap3A_47 = tpu.vector_load %arg8[%swap3A_45, %swap3A_46] {strides = array<i32>} : memref<128x128xf32, #tpu.memory_space<vmem>>, vector<1x16xf32>,
      %swap3A_48 = vector.shape_cast %swap3A_47 : vector<1x16xf32> to vector<16xf32>
      %swap3A_49 = vector.shape_cast %broadcast_in_dim3A_44 : vector<16xf32> to vector<1x16xf32>
      tpu.vector_store %arg8[%swap3A_45, %swap3A_46], %swap3A_49 {strides = array<i32>} : memref<128x128xf32, #tpu.memory_space<vmem>>, vector<1x16xf32>,
      %broadcast_in_dim3A_50 = arith.constant 0.000000e+00 : f32
      %broadcast_in_dim3A_51 = vector.broadcast %broadcast_in_dim3A_50 : f32 to vector<16xf32>
      %swap3A_52 = arith.index_cast %scan3A_37 : i32 to index
      %swap3A_53 = arith.constant 32 : index
      %swap3A_54 = tpu.vector_load %arg8[%swap3A_52, %swap3A_53] {strides = array<i32>} : memref<128x128xf32, #tpu.memory_space<vmem>>, vector<1x16xf32>,
      %swap3A_55 = vector.shape_cast %swap3A_54 : vector<1x16xf32> to vector<16xf32>
      %swap3A_56 = vector.shape_cast %broadcast_in_dim3A_51 : vector<16xf32> to vector<1x16xf32>
      tpu.vector_store %arg8[%swap3A_52, %swap3A_53], %swap3A_56 {strides = array<i32>} : memref<128x128xf32, #tpu.memory_space<vmem>>, vector<1x16xf32>,
      %broadcast_in_dim3A_57 = arith.constant 0.000000e+00 : f32
      %broadcast_in_dim3A_58 = vector.broadcast %broadcast_in_dim3A_57 : f32 to vector<16xf32>
      %swap3A_59 = arith.index_cast %scan3A_37 : i32 to index
      %swap3A_60 = arith.constant 48 : index
      %swap3A_61 = tpu.vector_load %arg8[%swap3A_59, %swap3A_60] {strides = array<i32>} : memref<128x128xf32, #tpu.memory_space<vmem>>, vector<1x16xf32>,
      %swap3A_62 = vector.shape_cast %swap3A_61 : vector<1x16xf32> to vector<16xf32>
      %swap3A_63 = vector.shape_cast %broadcast_in_dim3A_58 : vector<16xf32> to vector<1x16xf32>
      tpu.vector_store %arg8[%swap3A_59, %swap3A_60], %swap3A_63 {strides = array<i32>} : memref<128x128xf32, #tpu.memory_space<vmem>>, vector<1x16xf32>,
      %broadcast_in_dim3A_64 = arith.constant 0.000000e+00 : f32
      %broadcast_in_dim3A_65 = vector.broadcast %broadcast_in_dim3A_64 : f32 to vector<16xf32>
      %swap3A_66 = arith.index_cast %scan3A_37 : i32 to index
      %swap3A_67 = arith.constant 64 : index
      %swap3A_68 = tpu.vector_load %arg8[%swap3A_66, %swap3A_67] {strides = array<i32>} : memref<128x128xf32, #tpu.memory_space<vmem>>, vector<1x16xf32>,
      %swap3A_69 = vector.shape_cast %swap3A_68 : vector<1x16xf32> to vector<16xf32>
      %swap3A_70 = vector.shape_cast %broadcast_in_dim3A_65 : vector<16xf32> to vector<1x16xf32>
      tpu.vector_store %arg8[%swap3A_66, %swap3A_67], %swap3A_70 {strides = array<i32>} : memref<128x128xf32, #tpu.memory_space<vmem>>, vector<1x16xf32>,
      %broadcast_in_dim3A_71 = arith.constant 0.000000e+00 : f32
      %broadcast_in_dim3A_72 = vector.broadcast %broadcast_in_dim3A_71 : f32 to vector<16xf32>
      %swap3A_73 = arith.index_cast %scan3A_37 : i32 to index
      %swap3A_74 = arith.constant 80 : index
      %swap3A_75 = tpu.vector_load %arg8[%swap3A_73, %swap3A_74] {strides = array<i32>} : memref<128x128xf32, #tpu.memory_space<vmem>>, vector<1x16xf32>,
      %swap3A_76 = vector.shape_cast %swap3A_75 : vector<1x16xf32> to vector<16xf32>
      %swap3A_77 = vector.shape_cast %broadcast_in_dim3A_72 : vector<16xf32> to vector<1x16xf32>
      tpu.vector_store %arg8[%swap3A_73, %swap3A_74], %swap3A_77 {strides = array<i32>} : memref<128x128xf32, #tpu.memory_space<vmem>>, vector<1x16xf32>,
      %broadcast_in_dim3A_78 = arith.constant 0.000000e+00 : f32
      %broadcast_in_dim3A_79 = vector.broadcast %broadcast_in_dim3A_78 : f32 to vector<16xf32>
      %swap3A_80 = arith.index_cast %scan3A_37 : i32 to index
      %swap3A_81 = arith.constant 96 : index
      %swap3A_82 = tpu.vector_load %arg8[%swap3A_80, %swap3A_81] {strides = array<i32>} : memref<128x128xf32, #tpu.memory_space<vmem>>, vector<1x16xf32>,
      %swap3A_83 = vector.shape_cast %swap3A_82 : vector<1x16xf32> to vector<16xf32>
      %swap3A_84 = vector.shape_cast %broadcast_in_dim3A_79 : vector<16xf32> to vector<1x16xf32>
      tpu.vector_store %arg8[%swap3A_80, %swap3A_81], %swap3A_84 {strides = array<i32>} : memref<128x128xf32, #tpu.memory_space<vmem>>, vector<1x16xf32>,
      %broadcast_in_dim3A_85 = arith.constant 0.000000e+00 : f32
      %broadcast_in_dim3A_86 = vector.broadcast %broadcast_in_dim3A_85 : f32 to vector<16xf32>
      %swap3A_87 = arith.index_cast %scan3A_37 : i32 to index
      %swap3A_88 = arith.constant 112 : index
      %swap3A_89 = tpu.vector_load %arg8[%swap3A_87, %swap3A_88] {strides = array<i32>} : memref<128x128xf32, #tpu.memory_space<vmem>>, vector<1x16xf32>,
      %swap3A_90 = vector.shape_cast %swap3A_89 : vector<1x16xf32> to vector<16xf32>
      %swap3A_91 = vector.shape_cast %broadcast_in_dim3A_86 : vector<16xf32> to vector<1x16xf32>
      tpu.vector_store %arg8[%swap3A_87, %swap3A_88], %swap3A_91 {strides = array<i32>} : memref<128x128xf32, #tpu.memory_space<vmem>>, vector<1x16xf32>,
    }
    %scan3A_5 = arith.constant 128 : i32
    %mul3A_6 = arith.constant 640 : i32
    %mul3A_7 = arith.muli %arg1, %mul3A_6 : i32
    %add3A_8 = arith.constant 0 : i32
    %add3A_9 = arith.addi %mul3A_7, %add3A_8 : i32
    "tpu.region"() ({
      %run_scoped3A = tpu.sem_alloc : memref<!tpu.dma_semaphore, #tpu.memory_space<semaphore_mem>>
      %dma_start3A = arith.constant 0 : i32
      %dma_start3A_37 = tpu.memref_slice %arg9[%add3A_9, %dma_start3A] : memref<10240x128xf32, #tpu.memory_space<vmem_shared>> -> memref<128x128xf32, #tpu.memory_space<vmem_shared>>
      %dma_start3A_38 = arith.constant 0 : i32
      %dma_start3A_39 = tpu.memref_slice %arg9[%add3A_9, %dma_start3A_38] : memref<10240x128xf32, #tpu.memory_space<vmem_shared>> -> memref<128x128xf32, #tpu.memory_space<vmem_shared>>
      tpu.enqueue_dma source(%arg8 : memref<128x128xf32, #tpu.memory_space<vmem>>) target(%dma_start3A_39 : memref<128x128xf32, #tpu.memory_space<vmem_shared>>) target_semaphore(%run_scoped3A : memref<!tpu.dma_semaphore, #tpu.memory_space<semaphore_mem>>)
      %dma_wait3A = arith.constant 0 : i32
      %dma_wait3A_40 = tpu.memref_slice %arg9[%add3A_9, %dma_wait3A] : memref<10240x128xf32, #tpu.memory_space<vmem_shared>> -> memref<128x128xf32, #tpu.memory_space<vmem_shared>>
      %dma_wait3A_41 = arith.constant 0 : i32
      %dma_wait3A_42 = tpu.memref_slice %arg9[%add3A_9, %dma_wait3A_41] : memref<10240x128xf32, #tpu.memory_space<vmem_shared>> -> memref<128x128xf32, #tpu.memory_space<vmem_shared>>
      tpu.wait_dma2 semaphore(%run_scoped3A : memref<!tpu.dma_semaphore, #tpu.memory_space<semaphore_mem>>) src(%arg8 : memref<128x128xf32, #tpu.memory_space<vmem>>) dst(%dma_wait3A_42 : memref<128x128xf32, #tpu.memory_space<vmem_shared>>)
      tpu.yield
    }) : () -> ()
    %mul3A_10 = arith.constant 640 : i32
    %mul3A_11 = arith.muli %arg1, %mul3A_10 : i32
    %add3A_12 = arith.constant 128 : i32
    %add3A_13 = arith.addi %mul3A_11, %add3A_12 : i32
    "tpu.region"() ({
      %run_scoped3A = tpu.sem_alloc : memref<!tpu.dma_semaphore, #tpu.memory_space<semaphore_mem>>
      %dma_start3A = arith.constant 0 : i32
      %dma_start3A_37 = tpu.memref_slice %arg9[%add3A_13, %dma_start3A] : memref<10240x128xf32, #tpu.memory_space<vmem_shared>> -> memref<128x128xf32, #tpu.memory_space<vmem_shared>>
      %dma_start3A_38 = arith.constant 0 : i32
      %dma_start3A_39 = tpu.memref_slice %arg9[%add3A_13, %dma_start3A_38] : memref<10240x128xf32, #tpu.memory_space<vmem_shared>> -> memref<128x128xf32, #tpu.memory_space<vmem_shared>>
      tpu.enqueue_dma source(%arg8 : memref<128x128xf32, #tpu.memory_space<vmem>>) target(%dma_start3A_39 : memref<128x128xf32, #tpu.memory_space<vmem_shared>>) target_semaphore(%run_scoped3A : memref<!tpu.dma_semaphore, #tpu.memory_space<semaphore_mem>>)
      %dma_wait3A = arith.constant 0 : i32
      %dma_wait3A_40 = tpu.memref_slice %arg9[%add3A_13, %dma_wait3A] : memref<10240x128xf32, #tpu.memory_space<vmem_shared>> -> memref<128x128xf32, #tpu.memory_space<vmem_shared>>
      %dma_wait3A_41 = arith.constant 0 : i32
      %dma_wait3A_42 = tpu.memref_slice %arg9[%add3A_13, %dma_wait3A_41] : memref<10240x128xf32, #tpu.memory_space<vmem_shared>> -> memref<128x128xf32, #tpu.memory_space<vmem_shared>>
      tpu.wait_dma2 semaphore(%run_scoped3A : memref<!tpu.dma_semaphore, #tpu.memory_space<semaphore_mem>>) src(%arg8 : memref<128x128xf32, #tpu.memory_space<vmem>>) dst(%dma_wait3A_42 : memref<128x128xf32, #tpu.memory_space<vmem_shared>>)
      tpu.yield
    }) : () -> ()
    %mul3A_14 = arith.constant 640 : i32
    %mul3A_15 = arith.muli %arg1, %mul3A_14 : i32
    %add3A_16 = arith.constant 256 : i32
    %add3A_17 = arith.addi %mul3A_15, %add3A_16 : i32
    "tpu.region"() ({
      %run_scoped3A = tpu.sem_alloc : memref<!tpu.dma_semaphore, #tpu.memory_space<semaphore_mem>>
      %dma_start3A = arith.constant 0 : i32
      %dma_start3A_37 = tpu.memref_slice %arg9[%add3A_17, %dma_start3A] : memref<10240x128xf32, #tpu.memory_space<vmem_shared>> -> memref<128x128xf32, #tpu.memory_space<vmem_shared>>
      %dma_start3A_38 = arith.constant 0 : i32
      %dma_start3A_39 = tpu.memref_slice %arg9[%add3A_17, %dma_start3A_38] : memref<10240x128xf32, #tpu.memory_space<vmem_shared>> -> memref<128x128xf32, #tpu.memory_space<vmem_shared>>
      tpu.enqueue_dma source(%arg8 : memref<128x128xf32, #tpu.memory_space<vmem>>) target(%dma_start3A_39 : memref<128x128xf32, #tpu.memory_space<vmem_shared>>) target_semaphore(%run_scoped3A : memref<!tpu.dma_semaphore, #tpu.memory_space<semaphore_mem>>)
      %dma_wait3A = arith.constant 0 : i32
      %dma_wait3A_40 = tpu.memref_slice %arg9[%add3A_17, %dma_wait3A] : memref<10240x128xf32, #tpu.memory_space<vmem_shared>> -> memref<128x128xf32, #tpu.memory_space<vmem_shared>>
      %dma_wait3A_41 = arith.constant 0 : i32
      %dma_wait3A_42 = tpu.memref_slice %arg9[%add3A_17, %dma_wait3A_41] : memref<10240x128xf32, #tpu.memory_space<vmem_shared>> -> memref<128x128xf32, #tpu.memory_space<vmem_shared>>
      tpu.wait_dma2 semaphore(%run_scoped3A : memref<!tpu.dma_semaphore, #tpu.memory_space<semaphore_mem>>) src(%arg8 : memref<128x128xf32, #tpu.memory_space<vmem>>) dst(%dma_wait3A_42 : memref<128x128xf32, #tpu.memory_space<vmem_shared>>)
      tpu.yield
    }) : () -> ()
    %mul3A_18 = arith.constant 640 : i32
    %mul3A_19 = arith.muli %arg1, %mul3A_18 : i32
    %add3A_20 = arith.constant 384 : i32
    %add3A_21 = arith.addi %mul3A_19, %add3A_20 : i32
    "tpu.region"() ({
      %run_scoped3A = tpu.sem_alloc : memref<!tpu.dma_semaphore, #tpu.memory_space<semaphore_mem>>
      %dma_start3A = arith.constant 0 : i32
      %dma_start3A_37 = tpu.memref_slice %arg9[%add3A_21, %dma_start3A] : memref<10240x128xf32, #tpu.memory_space<vmem_shared>> -> memref<128x128xf32, #tpu.memory_space<vmem_shared>>
      %dma_start3A_38 = arith.constant 0 : i32
      %dma_start3A_39 = tpu.memref_slice %arg9[%add3A_21, %dma_start3A_38] : memref<10240x128xf32, #tpu.memory_space<vmem_shared>> -> memref<128x128xf32, #tpu.memory_space<vmem_shared>>
      tpu.enqueue_dma source(%arg8 : memref<128x128xf32, #tpu.memory_space<vmem>>) target(%dma_start3A_39 : memref<128x128xf32, #tpu.memory_space<vmem_shared>>) target_semaphore(%run_scoped3A : memref<!tpu.dma_semaphore, #tpu.memory_space<semaphore_mem>>)
      %dma_wait3A = arith.constant 0 : i32
      %dma_wait3A_40 = tpu.memref_slice %arg9[%add3A_21, %dma_wait3A] : memref<10240x128xf32, #tpu.memory_space<vmem_shared>> -> memref<128x128xf32, #tpu.memory_space<vmem_shared>>
      %dma_wait3A_41 = arith.constant 0 : i32
      %dma_wait3A_42 = tpu.memref_slice %arg9[%add3A_21, %dma_wait3A_41] : memref<10240x128xf32, #tpu.memory_space<vmem_shared>> -> memref<128x128xf32, #tpu.memory_space<vmem_shared>>
      tpu.wait_dma2 semaphore(%run_scoped3A : memref<!tpu.dma_semaphore, #tpu.memory_space<semaphore_mem>>) src(%arg8 : memref<128x128xf32, #tpu.memory_space<vmem>>) dst(%dma_wait3A_42 : memref<128x128xf32, #tpu.memory_space<vmem_shared>>)
      tpu.yield
    }) : () -> ()
    %mul3A_22 = arith.constant 640 : i32
    %mul3A_23 = arith.muli %arg1, %mul3A_22 : i32
    %add3A_24 = arith.constant 512 : i32
    %add3A_25 = arith.addi %mul3A_23, %add3A_24 : i32
    "tpu.region"() ({
      %run_scoped3A = tpu.sem_alloc : memref<!tpu.dma_semaphore, #tpu.memory_space<semaphore_mem>>
      %dma_start3A = arith.constant 0 : i32
      %dma_start3A_37 = tpu.memref_slice %arg9[%add3A_25, %dma_start3A] : memref<10240x128xf32, #tpu.memory_space<vmem_shared>> -> memref<128x128xf32, #tpu.memory_space<vmem_shared>>
      %dma_start3A_38 = arith.constant 0 : i32
      %dma_start3A_39 = tpu.memref_slice %arg9[%add3A_25, %dma_start3A_38] : memref<10240x128xf32, #tpu.memory_space<vmem_shared>> -> memref<128x128xf32, #tpu.memory_space<vmem_shared>>
      tpu.enqueue_dma source(%arg8 : memref<128x128xf32, #tpu.memory_space<vmem>>) target(%dma_start3A_39 : memref<128x128xf32, #tpu.memory_space<vmem_shared>>) target_semaphore(%run_scoped3A : memref<!tpu.dma_semaphore, #tpu.memory_space<semaphore_mem>>)
      %dma_wait3A = arith.constant 0 : i32
      %dma_wait3A_40 = tpu.memref_slice %arg9[%add3A_25, %dma_wait3A] : memref<10240x128xf32, #tpu.memory_space<vmem_shared>> -> memref<128x128xf32, #tpu.memory_space<vmem_shared>>
      %dma_wait3A_41 = arith.constant 0 : i32
      %dma_wait3A_42 = tpu.memref_slice %arg9[%add3A_25, %dma_wait3A_41] : memref<10240x128xf32, #tpu.memory_space<vmem_shared>> -> memref<128x128xf32, #tpu.memory_space<vmem_shared>>
      tpu.wait_dma2 semaphore(%run_scoped3A : memref<!tpu.dma_semaphore, #tpu.memory_space<semaphore_mem>>) src(%arg8 : memref<128x128xf32, #tpu.memory_space<vmem>>) dst(%dma_wait3A_42 : memref<128x128xf32, #tpu.memory_space<vmem_shared>>)
      tpu.yield
    }) : () -> ()
    %barrier3A = arith.constant 0 : index
    tpu.barrier barrier_id(%barrier3A)
    "tpu.region"() ({
      %run_scoped3A = tpu.sem_alloc : memref<!tpu.dma_semaphore, #tpu.memory_space<semaphore_mem>>
      %dma_start3A = arith.constant 0 : i32
      %dma_start3A_37 = arith.constant 0 : i32
      %dma_start3A_38 = tpu.memref_slice %arg3[%add3A, %dma_start3A, %dma_start3A_37] : memref<32x81x128xi32, #tpu.memory_space<hbm>> -> memref<1x81x128xi32, #tpu.memory_space<hbm>>
      %dma_start3A_39 = tpu.memref_squeeze %dma_start3A_38 : memref<1x81x128xi32, #tpu.memory_space<hbm>> -> memref<81x128xi32, #tpu.memory_space<hbm>>
      %dma_start3A_40 = arith.constant 0 : i32
      %dma_start3A_41 = arith.constant 0 : i32
      %dma_start3A_42 = tpu.memref_slice %arg3[%add3A, %dma_start3A_40, %dma_start3A_41] : memref<32x81x128xi32, #tpu.memory_space<hbm>> -> memref<1x81x128xi32, #tpu.memory_space<hbm>>
      %dma_start3A_43 = tpu.memref_squeeze %dma_start3A_42 : memref<1x81x128xi32, #tpu.memory_space<hbm>> -> memref<81x128xi32, #tpu.memory_space<hbm>>
      tpu.enqueue_dma source(%dma_start3A_43 : memref<81x128xi32, #tpu.memory_space<hbm>>) target(%arg6 : memref<81x128xi32, #tpu.memory_space<vmem>>) target_semaphore(%run_scoped3A : memref<!tpu.dma_semaphore, #tpu.memory_space<semaphore_mem>>)
      %dma_wait3A = arith.constant 0 : i32
      %dma_wait3A_44 = arith.constant 0 : i32
      %dma_wait3A_45 = tpu.memref_slice %arg3[%add3A, %dma_wait3A, %dma_wait3A_44] : memref<32x81x128xi32, #tpu.memory_space<hbm>> -> memref<1x81x128xi32, #tpu.memory_space<hbm>>
      %dma_wait3A_46 = tpu.memref_squeeze %dma_wait3A_45 : memref<1x81x128xi32, #tpu.memory_space<hbm>> -> memref<81x128xi32, #tpu.memory_space<hbm>>
      %dma_wait3A_47 = arith.constant 0 : i32
      %dma_wait3A_48 = arith.constant 0 : i32
      %dma_wait3A_49 = tpu.memref_slice %arg3[%add3A, %dma_wait3A_47, %dma_wait3A_48] : memref<32x81x128xi32, #tpu.memory_space<hbm>> -> memref<1x81x128xi32, #tpu.memory_space<hbm>>
      %dma_wait3A_50 = tpu.memref_squeeze %dma_wait3A_49 : memref<1x81x128xi32, #tpu.memory_space<hbm>> -> memref<81x128xi32, #tpu.memory_space<hbm>>
      tpu.wait_dma2 semaphore(%run_scoped3A : memref<!tpu.dma_semaphore, #tpu.memory_space<semaphore_mem>>) src(%dma_wait3A_50 : memref<81x128xi32, #tpu.memory_space<hbm>>) dst(%arg6 : memref<81x128xi32, #tpu.memory_space<vmem>>)
      tpu.yield
    }) : () -> ()
    "tpu.region"() ({
      %run_scoped3A = tpu.sem_alloc : memref<!tpu.dma_semaphore, #tpu.memory_space<semaphore_mem>>
      %dma_start3A = arith.constant 0 : i32
      %dma_start3A_37 = arith.constant 0 : i32
      %dma_start3A_38 = tpu.memref_slice %arg4[%add3A, %dma_start3A, %dma_start3A_37] : memref<32x81x128xi32, #tpu.memory_space<hbm>> -> memref<1x81x128xi32, #tpu.memory_space<hbm>>
      %dma_start3A_39 = tpu.memref_squeeze %dma_start3A_38 : memref<1x81x128xi32, #tpu.memory_space<hbm>> -> memref<81x128xi32, #tpu.memory_space<hbm>>
      %dma_start3A_40 = arith.constant 0 : i32
      %dma_start3A_41 = arith.constant 0 : i32
      %dma_start3A_42 = tpu.memref_slice %arg4[%add3A, %dma_start3A_40, %dma_start3A_41] : memref<32x81x128xi32, #tpu.memory_space<hbm>> -> memref<1x81x128xi32, #tpu.memory_space<hbm>>
      %dma_start3A_43 = tpu.memref_squeeze %dma_start3A_42 : memref<1x81x128xi32, #tpu.memory_space<hbm>> -> memref<81x128xi32, #tpu.memory_space<hbm>>
      tpu.enqueue_dma source(%dma_start3A_43 : memref<81x128xi32, #tpu.memory_space<hbm>>) target(%arg7 : memref<81x128xi32, #tpu.memory_space<vmem>>) target_semaphore(%run_scoped3A : memref<!tpu.dma_semaphore, #tpu.memory_space<semaphore_mem>>)
      %dma_wait3A = arith.constant 0 : i32
      %dma_wait3A_44 = arith.constant 0 : i32
      %dma_wait3A_45 = tpu.memref_slice %arg4[%add3A, %dma_wait3A, %dma_wait3A_44] : memref<32x81x128xi32, #tpu.memory_space<hbm>> -> memref<1x81x128xi32, #tpu.memory_space<hbm>>
      %dma_wait3A_46 = tpu.memref_squeeze %dma_wait3A_45 : memref<1x81x128xi32, #tpu.memory_space<hbm>> -> memref<81x128xi32, #tpu.memory_space<hbm>>
      %dma_wait3A_47 = arith.constant 0 : i32
      %dma_wait3A_48 = arith.constant 0 : i32
      %dma_wait3A_49 = tpu.memref_slice %arg4[%add3A, %dma_wait3A_47, %dma_wait3A_48] : memref<32x81x128xi32, #tpu.memory_space<hbm>> -> memref<1x81x128xi32, #tpu.memory_space<hbm>>
      %dma_wait3A_50 = tpu.memref_squeeze %dma_wait3A_49 : memref<1x81x128xi32, #tpu.memory_space<hbm>> -> memref<81x128xi32, #tpu.memory_space<hbm>>
      tpu.wait_dma2 semaphore(%run_scoped3A : memref<!tpu.dma_semaphore, #tpu.memory_space<semaphore_mem>>) src(%dma_wait3A_50 : memref<81x128xi32, #tpu.memory_space<hbm>>) dst(%arg7 : memref<81x128xi32, #tpu.memory_space<vmem>>)
      tpu.yield
    }) : () -> ()
    %scan3A_26 = arith.constant 0 : i32
    %scan3A_27 = arith.constant 0 : i32
    %scan3A_28 = arith.constant 81 : i32
    %scan3A_29 = arith.addi %scan3A_27, %scan3A_28 : i32
    %scan3A_30 = arith.constant 1 : i32
    scf.for %scan3A_37 = %scan3A_27 to %scan3A_29 step %scan3A_30  : i32 {
      %dma_start3A = arith.constant 0 : i32
      %dma_start3A_38 = tpu.memref_slice %arg6[%scan3A_37, %dma_start3A] : memref<81x128xi32, #tpu.memory_space<vmem>> -> memref<1x128xi32, #tpu.memory_space<vmem>>
      %dma_start3A_39 = tpu.memref_squeeze %dma_start3A_38 : memref<1x128xi32, #tpu.memory_space<vmem>> -> memref<128xi32, #tpu.memory_space<vmem>>
      %dma_start3A_40 = arith.constant 0 : i32
      %dma_start3A_41 = arith.constant 0 : i32
      %dma_start3A_42 = tpu.memref_slice %arg2[%dma_start3A_40, %dma_start3A_41] : memref<10240x128xf32, #tpu.memory_space<hbm>> -> memref<10240x128xf32, #tpu.memory_space<hbm>>
      tpu.enqueue_indirect_dma source(%dma_start3A_42 : memref<10240x128xf32, #tpu.memory_space<hbm>>) target(%arg8 : memref<128x128xf32, #tpu.memory_space<vmem>>) offsets(%dma_start3A_39 : memref<128xi32, #tpu.memory_space<vmem>>) semaphore(%arg10 : memref<!tpu.dma_semaphore, #tpu.memory_space<semaphore_mem>>)
      %dma_wait3A = arith.constant 0 : i32
      %dma_wait3A_43 = tpu.memref_slice %arg6[%scan3A_37, %dma_wait3A] : memref<81x128xi32, #tpu.memory_space<vmem>> -> memref<1x128xi32, #tpu.memory_space<vmem>>
      %dma_wait3A_44 = tpu.memref_squeeze %dma_wait3A_43 : memref<1x128xi32, #tpu.memory_space<vmem>> -> memref<128xi32, #tpu.memory_space<vmem>>
      %dma_wait3A_45 = arith.constant 0 : i32
      %dma_wait3A_46 = arith.constant 0 : i32
      %dma_wait3A_47 = tpu.memref_slice %arg2[%dma_wait3A_45, %dma_wait3A_46] : memref<10240x128xf32, #tpu.memory_space<hbm>> -> memref<10240x128xf32, #tpu.memory_space<hbm>>
      tpu.wait_indirect_dma semaphore(%arg10 : memref<!tpu.dma_semaphore, #tpu.memory_space<semaphore_mem>>) src(%dma_wait3A_47 : memref<10240x128xf32, #tpu.memory_space<hbm>>) dst(%arg8 : memref<128x128xf32, #tpu.memory_space<vmem>>)
      "tpu.region"() ({
        %run_scoped3A = tpu.sem_alloc : memref<!tpu.dma_semaphore, #tpu.memory_space<semaphore_mem>>
        %dma_start3A_48 = arith.constant 0 : i32
        %dma_start3A_49 = tpu.memref_slice %arg7[%scan3A_37, %dma_start3A_48] : memref<81x128xi32, #tpu.memory_space<vmem>> -> memref<1x128xi32, #tpu.memory_space<vmem>>
        %dma_start3A_50 = tpu.memref_squeeze %dma_start3A_49 : memref<1x128xi32, #tpu.memory_space<vmem>> -> memref<128xi32, #tpu.memory_space<vmem>>
        %dma_start3A_51 = arith.constant 0 : i32
        %dma_start3A_52 = arith.constant 0 : i32
        %dma_start3A_53 = tpu.memref_slice %arg9[%dma_start3A_51, %dma_start3A_52] : memref<10240x128xf32, #tpu.memory_space<vmem_shared>> -> memref<10240x128xf32, #tpu.memory_space<vmem_shared>>
        tpu.enqueue_indirect_dma source(%arg8 : memref<128x128xf32, #tpu.memory_space<vmem>>) target(%dma_start3A_53 : memref<10240x128xf32, #tpu.memory_space<vmem_shared>>) offsets(%dma_start3A_50 : memref<128xi32, #tpu.memory_space<vmem>>) semaphore(%run_scoped3A : memref<!tpu.dma_semaphore, #tpu.memory_space<semaphore_mem>>) {add = true}
        %dma_wait3A_54 = arith.constant 0 : i32
        %dma_wait3A_55 = tpu.memref_slice %arg7[%scan3A_37, %dma_wait3A_54] : memref<81x128xi32, #tpu.memory_space<vmem>> -> memref<1x128xi32, #tpu.memory_space<vmem>>
        %dma_wait3A_56 = tpu.memref_squeeze %dma_wait3A_55 : memref<1x128xi32, #tpu.memory_space<vmem>> -> memref<128xi32, #tpu.memory_space<vmem>>
        %dma_wait3A_57 = arith.constant 0 : i32
        %dma_wait3A_58 = arith.constant 0 : i32
        %dma_wait3A_59 = tpu.memref_slice %arg9[%dma_wait3A_57, %dma_wait3A_58] : memref<10240x128xf32, #tpu.memory_space<vmem_shared>> -> memref<10240x128xf32, #tpu.memory_space<vmem_shared>>
        tpu.wait_indirect_dma semaphore(%run_scoped3A : memref<!tpu.dma_semaphore, #tpu.memory_space<semaphore_mem>>) src(%arg8 : memref<128x128xf32, #tpu.memory_space<vmem>>) dst(%dma_wait3A_59 : memref<10240x128xf32, #tpu.memory_space<vmem_shared>>)
        tpu.yield
      }) : () -> ()
    }
    %scan3A_31 = arith.constant 81 : i32
    %barrier3A_32 = arith.constant 0 : index
    tpu.barrier barrier_id(%barrier3A_32)
    %mul3A_33 = arith.constant 640 : i32
    %mul3A_34 = arith.muli %arg1, %mul3A_33 : i32
    %mul3A_35 = arith.constant 640 : i32
    %mul3A_36 = arith.muli %arg1, %mul3A_35 : i32
    "tpu.region"() ({
      %run_scoped3A = tpu.sem_alloc : memref<!tpu.dma_semaphore, #tpu.memory_space<semaphore_mem>>
      %dma_start3A = arith.constant 0 : i32
      %dma_start3A_37 = tpu.memref_slice %arg5[%arg0, %mul3A_36, %dma_start3A] : memref<2x10240x128xf32, #tpu.memory_space<hbm>> -> memref<1x640x128xf32, #tpu.memory_space<hbm>>
      %dma_start3A_38 = tpu.memref_squeeze %dma_start3A_37 : memref<1x640x128xf32, #tpu.memory_space<hbm>> -> memref<640x128xf32, #tpu.memory_space<hbm>>
      %dma_start3A_39 = arith.constant 0 : i32
      %dma_start3A_40 = tpu.memref_slice %arg9[%mul3A_34, %dma_start3A_39] : memref<10240x128xf32, #tpu.memory_space<vmem_shared>> -> memref<640x128xf32, #tpu.memory_space<vmem_shared>>
      tpu.enqueue_dma source(%dma_start3A_40 : memref<640x128xf32, #tpu.memory_space<vmem_shared>>) target(%dma_start3A_38 : memref<640x128xf32, #tpu.memory_space<hbm>>) target_semaphore(%run_scoped3A : memref<!tpu.dma_semaphore, #tpu.memory_space<semaphore_mem>>)
      %dma_wait3A = arith.constant 0 : i32
      %dma_wait3A_41 = tpu.memref_slice %arg5[%arg0, %mul3A_36, %dma_wait3A] : memref<2x10240x128xf32, #tpu.memory_space<hbm>> -> memref<1x640x128xf32, #tpu.memory_space<hbm>>
      %dma_wait3A_42 = tpu.memref_squeeze %dma_wait3A_41 : memref<1x640x128xf32, #tpu.memory_space<hbm>> -> memref<640x128xf32, #tpu.memory_space<hbm>>
      %dma_wait3A_43 = arith.constant 0 : i32
      %dma_wait3A_44 = tpu.memref_slice %arg9[%mul3A_34, %dma_wait3A_43] : memref<10240x128xf32, #tpu.memory_space<vmem_shared>> -> memref<640x128xf32, #tpu.memory_space<vmem_shared>>
      tpu.wait_dma2 semaphore(%run_scoped3A : memref<!tpu.dma_semaphore, #tpu.memory_space<semaphore_mem>>) src(%dma_wait3A_44 : memref<640x128xf32, #tpu.memory_space<vmem_shared>>) dst(%dma_wait3A_42 : memref<640x128xf32, #tpu.memory_space<hbm>>)
      tpu.yield
    }) : () -> ()
    return
  }
}

module attributes {stable_mosaic.version = 14 : i64} {
  func.func @body(%arg0: i32, %arg1: memref<1024x1xf32, #tpu.memory_space<vmem>>, %arg2: memref<1024x1xf32, #tpu.memory_space<vmem>>, %arg3: memref<1024x128xf32, #tpu.memory_space<vmem>>, %arg4: memref<128x128xf32, #tpu.memory_space<vmem>>, %arg5: memref<1024x128xf32, #tpu.memory_space<vmem>>) attributes {dimension_semantics = [#tpu.dimension_semantics<arbitrary>], iteration_bounds = array<i64: 10>, scalar_prefetch = 0 : i64, scratch_operands = 0 : i64, tpu.core_type = #tpu.core_type<tc>, window_params = [{transform_indices = @transform_0, window_bounds = array<i64: 1024, 1>}, {transform_indices = @transform_1, window_bounds = array<i64: 1024, 1>}, {transform_indices = @transform_2, window_bounds = array<i64: 1024, 128>}, {pipeline_mode = #tpu.pipeline_mode<synchronous>, transform_indices = @transform_3, window_bounds = array<i64: 128, 128>}, {transform_indices = @transform_4, window_bounds = array<i64: 1024, 128>}]} {
    %get3A = arith.constant 0 : index
    %get3A_0 = arith.constant 0 : index
    %get3A_1 = vector.load %arg1[%get3A, %get3A_0] : memref<1024x1xf32, #tpu.memory_space<vmem>>, vector<1024x1xf32>
    %get3A_2 = arith.constant 0 : index
    %get3A_3 = arith.constant 0 : index
    %get3A_4 = vector.load %arg2[%get3A_2, %get3A_3] : memref<1024x1xf32, #tpu.memory_space<vmem>>, vector<1024x1xf32>
    %add3A = arith.addf %get3A_1, %get3A_4 : vector<1024x1xf32>
    %max3A = arith.constant 1.000000e+00 : f32
    %max3A_5 = vector.broadcast %max3A : f32 to vector<1024x1xf32>
    %max3A_6 = arith.maximumf %add3A, %max3A_5 : vector<1024x1xf32>
    %rsqrt3A = math.rsqrt %max3A_6 : vector<1024x1xf32>
    %get3A_7 = arith.constant 0 : index
    %get3A_8 = arith.constant 0 : index
    %get3A_9 = vector.load %arg3[%get3A_7, %get3A_8] : memref<1024x128xf32, #tpu.memory_space<vmem>>, vector<1024x128xf32>
    %get3A_10 = arith.constant 0 : index
    %get3A_11 = arith.constant 0 : index
    %get3A_12 = vector.load %arg4[%get3A_10, %get3A_11] : memref<128x128xf32, #tpu.memory_space<vmem>>, vector<128x128xf32>
    %dot_general3A = arith.constant dense<0.000000e+00> : vector<1024x128xf32>
    %dot_general3A_13 = tpu.matmul %get3A_9, %get3A_12, %dot_general3A {dimension_numbers = #tpu.dot_dimension_numbers<[1], [0], [0], [1], [0, 0, 1, 1], [], []>, transpose_lhs_hint = false} : vector<1024x128xf32>, vector<128x128xf32>, vector<1024x128xf32> -> vector<1024x128xf32>
    %mul3A = vector.broadcast %rsqrt3A : vector<1024x1xf32> to vector<1024x128xf32>
    %mul3A_14 = arith.mulf %mul3A, %dot_general3A_13 : vector<1024x128xf32>
    %swap3A = arith.constant 0 : index
    %swap3A_15 = arith.constant 0 : index
    %swap3A_16 = vector.load %arg5[%swap3A, %swap3A_15] : memref<1024x128xf32, #tpu.memory_space<vmem>>, vector<1024x128xf32>
    tpu.vector_store %arg5[%swap3A, %swap3A_15], %mul3A_14 {strides = array<i32>} : memref<1024x128xf32, #tpu.memory_space<vmem>>, vector<1024x128xf32>,
    return
  }
  func.func @transform_0(%arg0: i32) -> (i32, i32) {
    %c0_i32 = arith.constant 0 : i32
    %c0_i32_0 = arith.constant 0 : i32
    return %arg0, %c0_i32 : i32, i32
  }
  func.func @transform_1(%arg0: i32) -> (i32, i32) {
    %c0_i32 = arith.constant 0 : i32
    %c0_i32_0 = arith.constant 0 : i32
    return %arg0, %c0_i32 : i32, i32
  }
  func.func @transform_2(%arg0: i32) -> (i32, i32) {
    %c0_i32 = arith.constant 0 : i32
    %c0_i32_0 = arith.constant 0 : i32
    return %arg0, %c0_i32 : i32, i32
  }
  func.func @transform_3(%arg0: i32) -> (i32, i32) {
    %c0_i32 = arith.constant 0 : i32
    %c0_i32_0 = arith.constant 0 : i32
    %c0_i32_1 = arith.constant 0 : i32
    return %c0_i32, %c0_i32_0 : i32, i32
  }
  func.func @transform_4(%arg0: i32) -> (i32, i32) {
    %c0_i32 = arith.constant 0 : i32
    %c0_i32_0 = arith.constant 0 : i32
    return %arg0, %c0_i32 : i32, i32
  }
}

module attributes {stable_mosaic.version = 14 : i64} {
  func.func @body(%arg0: i32, %arg1: memref<1024x1xf32, #tpu.memory_space<vmem>>, %arg2: memref<1024x1xf32, #tpu.memory_space<vmem>>, %arg3: memref<1024x128xf32, #tpu.memory_space<vmem>>, %arg4: memref<1024x128xf32, #tpu.memory_space<vmem>>, %arg5: memref<1x128xf32, #tpu.memory_space<vmem>>, %arg6: memref<128x128xf32, #tpu.memory_space<vmem>>, %arg7: memref<1024x128xf32, #tpu.memory_space<vmem>>) attributes {dimension_semantics = [#tpu.dimension_semantics<arbitrary>], iteration_bounds = array<i64: 10>, scalar_prefetch = 0 : i64, scratch_operands = 0 : i64, tpu.core_type = #tpu.core_type<tc>, window_params = [{transform_indices = @transform_0, window_bounds = array<i64: 1024, 1>}, {transform_indices = @transform_1, window_bounds = array<i64: 1024, 1>}, {transform_indices = @transform_2, window_bounds = array<i64: 1024, 128>}, {transform_indices = @transform_3, window_bounds = array<i64: 1024, 128>}, {pipeline_mode = #tpu.pipeline_mode<synchronous>, transform_indices = @transform_4, window_bounds = array<i64: 1, 128>}, {pipeline_mode = #tpu.pipeline_mode<synchronous>, transform_indices = @transform_5, window_bounds = array<i64: 128, 128>}, {transform_indices = @transform_6, window_bounds = array<i64: 1024, 128>}]} {
    %get3A = arith.constant 0 : index
    %get3A_0 = arith.constant 0 : index
    %get3A_1 = vector.load %arg1[%get3A, %get3A_0] : memref<1024x1xf32, #tpu.memory_space<vmem>>, vector<1024x1xf32>
    %get3A_2 = arith.constant 0 : index
    %get3A_3 = arith.constant 0 : index
    %get3A_4 = vector.load %arg2[%get3A_2, %get3A_3] : memref<1024x1xf32, #tpu.memory_space<vmem>>, vector<1024x1xf32>
    %add3A = arith.addf %get3A_1, %get3A_4 : vector<1024x1xf32>
    %max3A = arith.constant 1.000000e+00 : f32
    %max3A_5 = vector.broadcast %max3A : f32 to vector<1024x1xf32>
    %max3A_6 = arith.maximumf %add3A, %max3A_5 : vector<1024x1xf32>
    %rsqrt3A = math.rsqrt %max3A_6 : vector<1024x1xf32>
    %get3A_7 = arith.constant 0 : index
    %get3A_8 = arith.constant 0 : index
    %get3A_9 = vector.load %arg3[%get3A_7, %get3A_8] : memref<1024x128xf32, #tpu.memory_space<vmem>>, vector<1024x128xf32>
    %get3A_10 = arith.constant 0 : index
    %get3A_11 = arith.constant 0 : index
    %get3A_12 = vector.load %arg4[%get3A_10, %get3A_11] : memref<1024x128xf32, #tpu.memory_space<vmem>>, vector<1024x128xf32>
    %add3A_13 = arith.addf %get3A_9, %get3A_12 : vector<1024x128xf32>
    %mul3A = vector.broadcast %rsqrt3A : vector<1024x1xf32> to vector<1024x128xf32>
    %mul3A_14 = arith.mulf %mul3A, %add3A_13 : vector<1024x128xf32>
    %get3A_15 = arith.constant 0 : index
    %get3A_16 = arith.constant 0 : index
    %get3A_17 = vector.load %arg5[%get3A_15, %get3A_16] : memref<1x128xf32, #tpu.memory_space<vmem>>, vector<1x128xf32>
    %add3A_18 = vector.broadcast %get3A_17 : vector<1x128xf32> to vector<1024x128xf32>
    %add3A_19 = arith.addf %mul3A_14, %add3A_18 : vector<1024x128xf32>
    %max3A_20 = arith.constant 0.000000e+00 : f32
    %max3A_21 = vector.broadcast %max3A_20 : f32 to vector<1024x128xf32>
    %max3A_22 = arith.maximumf %add3A_19, %max3A_21 : vector<1024x128xf32>
    %get3A_23 = arith.constant 0 : index
    %get3A_24 = arith.constant 0 : index
    %get3A_25 = vector.load %arg6[%get3A_23, %get3A_24] : memref<128x128xf32, #tpu.memory_space<vmem>>, vector<128x128xf32>
    %dot_general3A = arith.constant dense<0.000000e+00> : vector<1024x128xf32>
    %dot_general3A_26 = tpu.matmul %max3A_22, %get3A_25, %dot_general3A {dimension_numbers = #tpu.dot_dimension_numbers<[1], [0], [0], [1], [0, 0, 1, 1], [], []>, transpose_lhs_hint = false} : vector<1024x128xf32>, vector<128x128xf32>, vector<1024x128xf32> -> vector<1024x128xf32>
    %mul3A_27 = vector.broadcast %rsqrt3A : vector<1024x1xf32> to vector<1024x128xf32>
    %mul3A_28 = arith.mulf %mul3A_27, %dot_general3A_26 : vector<1024x128xf32>
    %swap3A = arith.constant 0 : index
    %swap3A_29 = arith.constant 0 : index
    %swap3A_30 = vector.load %arg7[%swap3A, %swap3A_29] : memref<1024x128xf32, #tpu.memory_space<vmem>>, vector<1024x128xf32>
    tpu.vector_store %arg7[%swap3A, %swap3A_29], %mul3A_28 {strides = array<i32>} : memref<1024x128xf32, #tpu.memory_space<vmem>>, vector<1024x128xf32>,
    return
  }
  func.func @transform_0(%arg0: i32) -> (i32, i32) {
    %c0_i32 = arith.constant 0 : i32
    %c0_i32_0 = arith.constant 0 : i32
    return %arg0, %c0_i32 : i32, i32
  }
  func.func @transform_1(%arg0: i32) -> (i32, i32) {
    %c0_i32 = arith.constant 0 : i32
    %c0_i32_0 = arith.constant 0 : i32
    return %arg0, %c0_i32 : i32, i32
  }
  func.func @transform_2(%arg0: i32) -> (i32, i32) {
    %c0_i32 = arith.constant 0 : i32
    %c0_i32_0 = arith.constant 0 : i32
    return %arg0, %c0_i32 : i32, i32
  }
  func.func @transform_3(%arg0: i32) -> (i32, i32) {
    %c0_i32 = arith.constant 0 : i32
    %c0_i32_0 = arith.constant 0 : i32
    return %arg0, %c0_i32 : i32, i32
  }
  func.func @transform_4(%arg0: i32) -> (i32, i32) {
    %c0_i32 = arith.constant 0 : i32
    %c0_i32_0 = arith.constant 0 : i32
    %c0_i32_1 = arith.constant 0 : i32
    return %c0_i32, %c0_i32_0 : i32, i32
  }
  func.func @transform_5(%arg0: i32) -> (i32, i32) {
    %c0_i32 = arith.constant 0 : i32
    %c0_i32_0 = arith.constant 0 : i32
    %c0_i32_1 = arith.constant 0 : i32
    return %c0_i32, %c0_i32_0 : i32, i32
  }
  func.func @transform_6(%arg0: i32) -> (i32, i32) {
    %c0_i32 = arith.constant 0 : i32
    %c0_i32_0 = arith.constant 0 : i32
    return %arg0, %c0_i32 : i32, i32
  }
}

module attributes {stable_mosaic.version = 14 : i64} {
  func.func @body(%arg0: i32, %arg1: memref<1000x1xf32, #tpu.memory_space<vmem>>, %arg2: memref<1000x1xf32, #tpu.memory_space<vmem>>, %arg3: memref<1000x128xf32, #tpu.memory_space<vmem>>, %arg4: memref<1000x128xf32, #tpu.memory_space<vmem>>, %arg5: memref<1x128xf32, #tpu.memory_space<vmem>>, %arg6: memref<1000x128xf32, #tpu.memory_space<vmem>>) attributes {dimension_semantics = [#tpu.dimension_semantics<arbitrary>], iteration_bounds = array<i64: 10>, scalar_prefetch = 0 : i64, scratch_operands = 0 : i64, tpu.core_type = #tpu.core_type<tc>, window_params = [{transform_indices = @transform_0, window_bounds = array<i64: 1000, 1>}, {transform_indices = @transform_1, window_bounds = array<i64: 1000, 1>}, {transform_indices = @transform_2, window_bounds = array<i64: 1000, 128>}, {transform_indices = @transform_3, window_bounds = array<i64: 1000, 128>}, {pipeline_mode = #tpu.pipeline_mode<synchronous>, transform_indices = @transform_4, window_bounds = array<i64: 1, 128>}, {transform_indices = @transform_5, window_bounds = array<i64: 1000, 128>}]} {
    %get3A = arith.constant 0 : index
    %get3A_0 = arith.constant 0 : index
    %get3A_1 = vector.load %arg1[%get3A, %get3A_0] : memref<1000x1xf32, #tpu.memory_space<vmem>>, vector<1000x1xf32>
    %get3A_2 = arith.constant 0 : index
    %get3A_3 = arith.constant 0 : index
    %get3A_4 = vector.load %arg2[%get3A_2, %get3A_3] : memref<1000x1xf32, #tpu.memory_space<vmem>>, vector<1000x1xf32>
    %add3A = arith.addf %get3A_1, %get3A_4 : vector<1000x1xf32>
    %max3A = arith.constant 1.000000e+00 : f32
    %max3A_5 = vector.broadcast %max3A : f32 to vector<1000x1xf32>
    %max3A_6 = arith.maximumf %add3A, %max3A_5 : vector<1000x1xf32>
    %rsqrt3A = math.rsqrt %max3A_6 : vector<1000x1xf32>
    %get3A_7 = arith.constant 0 : index
    %get3A_8 = arith.constant 0 : index
    %get3A_9 = vector.load %arg3[%get3A_7, %get3A_8] : memref<1000x128xf32, #tpu.memory_space<vmem>>, vector<1000x128xf32>
    %get3A_10 = arith.constant 0 : index
    %get3A_11 = arith.constant 0 : index
    %get3A_12 = vector.load %arg4[%get3A_10, %get3A_11] : memref<1000x128xf32, #tpu.memory_space<vmem>>, vector<1000x128xf32>
    %add3A_13 = arith.addf %get3A_9, %get3A_12 : vector<1000x128xf32>
    %mul3A = vector.broadcast %rsqrt3A : vector<1000x1xf32> to vector<1000x128xf32>
    %mul3A_14 = arith.mulf %mul3A, %add3A_13 : vector<1000x128xf32>
    %get3A_15 = arith.constant 0 : index
    %get3A_16 = arith.constant 0 : index
    %get3A_17 = vector.load %arg5[%get3A_15, %get3A_16] : memref<1x128xf32, #tpu.memory_space<vmem>>, vector<1x128xf32>
    %add3A_18 = vector.broadcast %get3A_17 : vector<1x128xf32> to vector<1000x128xf32>
    %add3A_19 = arith.addf %mul3A_14, %add3A_18 : vector<1000x128xf32>
    %swap3A = arith.constant 0 : index
    %swap3A_20 = arith.constant 0 : index
    %swap3A_21 = vector.load %arg6[%swap3A, %swap3A_20] : memref<1000x128xf32, #tpu.memory_space<vmem>>, vector<1000x128xf32>
    tpu.vector_store %arg6[%swap3A, %swap3A_20], %add3A_19 {strides = array<i32>} : memref<1000x128xf32, #tpu.memory_space<vmem>>, vector<1000x128xf32>,
    return
  }
  func.func @transform_0(%arg0: i32) -> (i32, i32) {
    %c0_i32 = arith.constant 0 : i32
    %c0_i32_0 = arith.constant 0 : i32
    return %arg0, %c0_i32 : i32, i32
  }
  func.func @transform_1(%arg0: i32) -> (i32, i32) {
    %c0_i32 = arith.constant 0 : i32
    %c0_i32_0 = arith.constant 0 : i32
    return %arg0, %c0_i32 : i32, i32
  }
  func.func @transform_2(%arg0: i32) -> (i32, i32) {
    %c0_i32 = arith.constant 0 : i32
    %c0_i32_0 = arith.constant 0 : i32
    return %arg0, %c0_i32 : i32, i32
  }
  func.func @transform_3(%arg0: i32) -> (i32, i32) {
    %c0_i32 = arith.constant 0 : i32
    %c0_i32_0 = arith.constant 0 : i32
    return %arg0, %c0_i32 : i32, i32
  }
  func.func @transform_4(%arg0: i32) -> (i32, i32) {
    %c0_i32 = arith.constant 0 : i32
    %c0_i32_0 = arith.constant 0 : i32
    %c0_i32_1 = arith.constant 0 : i32
    return %c0_i32, %c0_i32_0 : i32, i32
  }
  func.func @transform_5(%arg0: i32) -> (i32, i32) {
    %c0_i32 = arith.constant 0 : i32
    %c0_i32_0 = arith.constant 0 : i32
    return %arg0, %c0_i32 : i32, i32
  }
}

</mosaic_0001>

<sc_bundles>
// kernel: kernel.11.cloned.1.call-start
scs
__scs_entry_jumppad:
0x0: {  	(pc) =	sbr.rel $0x88, $3  }
0x1: {  	(tag) =	ssettag $0x0;
	lr =	simm.s32 $0x1  }
0x2: {  	[smem:$0x3F9B] =	sst lr;
	_ =	strace $0xD0000000  }
0x3: {  	_ = 	snop  }
0x4: {  	_ = 	snop  }
0x5: {  	_ = 	snop  }
0x6: {  	_ = 	snop  }
0x7: {  	_ = 	snop  }
__scs_overlays_trampoline_lowered:
0x8: {  	[smem:$0x3FAA] =	sst s0  }
0x9: {  	[smem:$0x3FAB] =	sst s1  }
0xa: {  	[smem:$0x3FAC] =	sst s2  }
0xb: {  	[smem:$0x3FAD] =	sst s3  }
0xc: {  	[smem:$0x3FAE] =	sst s4  }
0xd: {  	[smem:$0x3FAF] =	sst s5  }
0xe: {  	[smem:$0x3FB0] =	sst s6  }
0xf: {  	[smem:$0x3FB1] =	sst s7  }
0x10: {  	[smem:$0x3FB2] =	sst s8  }
0x11: {  	[smem:$0x3FB3] =	sst s9;
	s0 =	simm.s32 @!p0 $0x0  }
0x12: {  	s1 =	sld [smem:$0x3F99];
	s0 =	simm.s32 @p0 $0x1  }
0x13: {  	[smem:$0x3FB4] =	sst s0;
	s0 =	simm.s32 @!p1 $0x0  }
0x14: {  	s2 =	sld [smem:$0x3F98];
	s0 =	simm.s32 @p1 $0x1  }
0x15: {  	[smem:$0x3FB5] =	sst s0;
	s0 =	simm.s32 @!p2 $0x0  }
0x16: {  	s3 =	sld [smem:$0x3FDB];
	s0 =	simm.s32 @p2 $0x1  }
0x17: {  	s4 =	simm.s32 $0x1BF5;
	[smem:$0x3FB7] =	sst s0  }
0x18: {  	s0 =	sld [smem:$0x3F9A];
	_ =	swait.ge [sflag:s4], $0x0  }
0x19: {  	s7 =	sld [smem:$0x3F9B]  }
0x1a: {  	s8 =	sadd.s32 $0xFFFFE003, lr  }
0x1b: {  	s9 =	sadd.s32 $0xFFFFFEF7, lr;
	s5 =	simm.s32 $0xFFFFFFFF;
	p2 =	slt.u32 s8, $0xFFFFF086  }
0x1c: {  	p1 =	slt.u32 s9, $0xF7A;
	s5 =	simm.s32 @!p2 $0x0  }
0x1d: {  	s5 =	simm.s32 @p1 $0x1;
	p0 =	seq.s32 s7, s2  }
0x1e: {  	s7 =	smul.u32 @!p0 $0xF7A, s2;
	p2 =	seq.s32 @!p0 s5, $0x0  }
0x1f: {  	s9 =	smul.u32 $0xF7A, s1;
	s8 =	simm.s32 @!p0 $0x1BF5;
	p2 =	por !p2, p0  }
0x20: {  	[sflag:s8] =	ssyncset.s32 @!p0 $0xFFFFF086;
	s6 =	sadd.s32 @!p0 s3, s7;
	s7 =	simm.s32 @!p0 $0x108  }
0x21: {  	s3 =	sadd.s32 s3, s9;
	s6 =	sadd.s32 @!p0 $0x88, s6;
	s7 =	simm.s32 @p2 $0x1082  }
0x22: {  	[simem:s7], [sflag:s8] =	dma.local @!p0 [hbm:s6], $0xF7A  }
0x23: {  	s9 =	sor.u32 $0xD0000000, s2;
	s6 =	simm.s32 $0x108;
	_ =	swait.ge @!p0 [sflag:s8], $0x0  }
0x24: {  	s3 =	sadd.s32 $0x88, s3;
	s6 =	simm.s32 @!p1 $0x1082;
	[sflag:s4] =	ssyncset.s32 $0xFFFFF086  }
0x25: {  	[simem:s6], [sflag:s4] =	dma.local [hbm:s3], $0xF7A  }
0x26: {  	[smem:$0x3F9B] =	sst s1;
	(tag) =	ssettag s2;
	_ =	strace s9  }
0x27: {  	s1 =	sld [smem:$0x3FAB]  }
0x28: {  	s2 =	sld [smem:$0x3FAC]  }
0x29: {  	s4 =	sld [smem:$0x3FAE]  }
0x2a: {  	p0 =	seq.s32 s5, $0x0;
	s5 =	sld [smem:$0x3FAF]  }
0x2b: {  	s6 =	sld [smem:$0x3FB0]  }
0x2c: {  	s7 =	sld [smem:$0x3FB1]  }
0x2d: {  	s3 =	simm.s32 $0x108;
	s8 =	sld [smem:$0x3FB2]  }
0x2e: {  	s3 =	simm.s32 @!p0 $0x1082;
	s9 =	sld [smem:$0x3FB3]  }
0x2f: {  	lr =	sadd.s32 s0, s3;
	s0 =	sld [smem:$0x3FAA]  }
0x30: {  	s3 =	sld [smem:$0x3FAD]  }
0x31: {  	[smem:$0x3FB6] =	sst s10  }
0x32: {  	s10 =	sld [smem:$0x3FB4];
	_ =	sdelay $0x3  }
0x33: {  	p0 =	seq.s32 s10, $0x1;
	s10 =	sld [smem:$0x3FB6];
	_ =	sdelay $0x3  }
0x34: {  	[smem:$0x3FB6] =	sst s10  }
0x35: {  	s10 =	sld [smem:$0x3FB5];
	_ =	sdelay $0x3  }
0x36: {  	p1 =	seq.s32 s10, $0x1;
	s10 =	sld [smem:$0x3FB6];
	_ =	sdelay $0x3  }
0x37: {  	[smem:$0x3FB6] =	sst s10  }
0x38: {  	s10 =	sld [smem:$0x3FB7]  }
0x39: {  	_ = 	snop;
	(pc) =	sbr.ind lr, $3  }
0x3a: {  	_ = 	snop  }
0x3b: {  	_ = 	snop  }
0x3c: {  	p2 =	seq.s32 s10, $0x1;
	s10 =	sld [smem:$0x3FB6]  }
0x3d: {  	_ =	shalt  }
0x3e: {  	_ =	shalt  }
0x3f: {  	_ =	shalt  }
0x40: {  	_ =	shalt  }
0x41: {  	_ =	shalt  }
0x42: {  	_ =	shalt  }
0x43: {  	_ =	shalt  }
0x44: {  	_ =	shalt  }
0x45: {  	_ =	shalt  }
0x46: {  	_ =	shalt  }
0x47: {  	_ =	shalt  }
0x48: {  	_ =	shalt  }
0x49: {  	_ =	shalt  }
0x4a: {  	_ =	shalt  }
0x4b: {  	_ =	shalt  }
0x4c: {  	_ =	shalt  }
0x4d: {  	_ =	shalt  }
0x4e: {  	_ =	shalt  }
0x4f: {  	_ =	shalt  }
0x50: {  	_ =	shalt  }
0x51: {  	_ =	shalt  }
0x52: {  	_ =	shalt  }
0x53: {  	_ =	shalt  }
0x54: {  	_ =	shalt  }
0x55: {  	_ =	shalt  }
0x56: {  	_ =	shalt  }
0x57: {  	_ =	shalt  }
0x58: {  	_ =	shalt  }
0x59: {  	_ =	shalt  }
0x5a: {  	_ =	shalt  }
0x5b: {  	_ =	shalt  }
0x5c: {  	_ =	shalt  }
0x5d: {  	_ =	shalt  }
0x5e: {  	_ =	shalt  }
0x5f: {  	_ =	shalt  }
0x60: {  	_ =	shalt  }
0x61: {  	_ =	shalt  }
0x62: {  	_ =	shalt  }
0x63: {  	_ =	shalt  }
0x64: {  	_ =	shalt  }
0x65: {  	_ =	shalt  }
0x66: {  	_ =	shalt  }
0x67: {  	_ =	shalt  }
0x68: {  	_ =	shalt  }
0x69: {  	_ =	shalt  }
0x6a: {  	_ =	shalt  }
0x6b: {  	_ =	shalt  }
0x6c: {  	_ =	shalt  }
0x6d: {  	_ =	shalt  }
0x6e: {  	_ =	shalt  }
0x6f: {  	_ =	shalt  }
0x70: {  	_ =	shalt  }
0x71: {  	_ =	shalt  }
0x72: {  	_ =	shalt  }
0x73: {  	_ =	shalt  }
0x74: {  	_ =	shalt  }
0x75: {  	_ =	shalt  }
0x76: {  	_ =	shalt  }
0x77: {  	_ =	shalt  }
0x78: {  	_ =	shalt  }
0x79: {  	_ =	shalt  }
0x7a: {  	_ =	shalt  }
0x7b: {  	_ =	shalt  }
0x7c: {  	_ =	shalt  }
0x7d: {  	_ =	shalt  }
0x7e: {  	_ =	shalt  }
0x7f: {  	_ =	shalt  }
0x80: {  	_ =	shalt  }
0x81: {  	_ =	shalt  }
0x82: {  	_ =	shalt  }
0x83: {  	_ =	shalt  }
0x84: {  	_ =	shalt  }
0x85: {  	_ =	shalt  }
0x86: {  	_ =	shalt  }
0x87: {  	_ =	shalt  }
.Lfunc_end0:
.L_simem_size_0:
called_computation.1_lowered:
.L_overlay_start_0:
0x88: {  	s2 =	sld [smem:$0x3FD9]  }
0x89: {  	s3 =	sld [smem:$0x3FFE];
	_ =	sdelay $0x1  }
0x8a: {  	s1 =	srdreg.scid  }
0x8b: {  	s0 =	sand.u32 $0x1, s1  }
0x8c: {  	s17 =	sshll.u32 s0, $0xA;
	s2 =	sadd.s32 s3, s2  }
0x8d: {  	s2 =	sadd.s32 s2, s17  }
0x8e: {  	[smem:$0x3FC2] =	sst s2  }
0x8f: {  	_ = 	snop  }
0x90: {  	s2 =	sld [smem:$0x3FD0];
	(tm) =	ssettm $0x1  }
0x91: {  	s18 =	sld [smem:$0x3FFB];
	_ =	sdelay $0x3  }
0x92: {  	_ =	strace s18  }
0x93: {  	s3 =	sld [smem:$0x3FFC];
	_ =	sdelay $0x3  }
0x94: {  	_ =	strace s3  }
0x95: {  	s3 =	sld [smem:$0x3FFD];
	_ =	sdelay $0x3  }
0x96: {  	_ =	strace s3  }
0x97: {  	_ =	strace $0x8FFFFFFF  }
0x98: {  	s19 =	sld [smem:$0x3FDB];
	_ =	sdelay $0x1  }
0x99: {  	s4 =	simm.s32 $_scs_section_size  }
0x9a: {  	s5 =	simm.s32 $_size__tile_overlayer_lowered;
	s6 =	simm.s32 $_tile_overlayer_lowered  }
0x9b: {  	s22 =	simm.s32 $0x1BFF;
	s21 =	sshll.u32 s6, $0x1;
	s3 =	sadd.s32 s4, s19  }
0x9c: {  	s7 =	simm.s32 $0x0;
	s20 =	sshll.u32 s5, $0x1;
	s5 =	sadd.s32 s21, s3  }
0x9d: {  	[timem:s7], [sflag:s22] =	dma.local [hbm:s5], s20  }
0x9e: {  	_ =	swait.ge [sflag:s22], s20  }
0x9f: {  	s4 =	ssub.s32 $0x0, s20;
	[sflag:s22] =	ssyncset.done $0x0  }
0xa0: {  	[sflag:s22] =	ssyncadd.s32 s4;
	_ =	sdelay $0x1  }
0xa1: {  	s23 =	simm.s32 $0x1B8B  }
0xa2: {  	_ =	swait.ge [sflag:s23], $0x1  }
0xa3: {  	[sflag:s23] =	ssyncset.done $0x0  }
0xa4: {  	s25 =	simm.s32 $0x1B8E;
	s24 =	sld [smem:$0x3FFE];
	[sflag:s23] =	ssyncadd.s32 $0xFFFFFFFF  }
0xa5: {  	s26 =	simm.s32 $execute0_lowered;
	[smem:$0x3FD2] =	sst s25  }
0xa6: {  	s5 =	sshll.u32 s26, $0x1;
	_ =	strace $0x80000049;
	[dreg:$0x1] =	wrdreg $0xFFFFFFFF  }
0xa7: {  	s28 =	simm.s32 $_size_execute0_lowered;
	s3 =	sadd.s32 s3, s5;
	[dreg:$0x0] =	wrdreg $0x0  }
0xa8: {  	s5 =	sshll.u32 s28, $0x1;
	[dreg:$0x2] =	wrdreg s3  }
0xa9: {  	[dreg:$0x3] =	wrdreg s5  }
0xaa: {  	[dreg:$0x4] =	wrdreg $0xC0  }
0xab: {  	_ =	task [dreg:s7], $0x5FFFF  }
0xac: {  	[dreg:$0x1] =	wrdreg $0xFFFFFFFF  }
0xad: {  	[dreg:$0x0] =	wrdreg $0x60  }
0xae: {  	[dreg:$0x2] =	wrdreg s24  }
0xaf: {  	[dreg:$0x3] =	wrdreg s2  }
0xb0: {  	[dreg:$0x4] =	wrdreg $0x98000  }
0xb1: {  	[dreg:$0x5] =	wrdreg $0x9  }
0xb2: {  	_ =	task.clear_ibuf [dreg:s7], $0x6FFFF;
	_ =	strace $0x90000049  }
0xb3: {  	s29 =	simm.s32 $0x9;
	_ =	strace $0x8000004B  }
0xb4: {  	_ =	swait.ge [sflag:s29], $0x1  }
0xb5: {  	[sflag:s29] =	ssyncadd.s32 $0xFFFFFFFF  }
0xb6: {  	_ =	strace $0x9000004B  }
0xb7: {  	_ =	sfence  }
0xb8: {  	s30 =	sld [smem:$0x0];
	_ =	sdelay $0x2  }
0xb9: {  	s31 =	sshll.u32 s1, $0xD;
	s1 =	sshrl.u32 s1, $0x2  }
0xba: {  	s3 =	sand.u32 $0x4000, s31;
	s1 =	sadd.s32 s1, s30  }
0xbb: {  	s0 =	sor.u32 s3, s0;
	s1 =	sshll.u32 s1, $0x11  }
0xbc: {  	s0 =	sor.u32 s1, s0  }
0xbd: {  	s0 =	sadd.s32 $0x8F2B, s0  }
0xbe: {  	[sflag:s0] =	ssyncadd.remote.s32 $0x1  }
0xbf: {  	_ =	sfence.sel $0xFFFF  }
0xc0: {  	[dreg:$0x0] =	wrdreg $0xFFFFFFFF;
	(pc) =	sbr.abs _section_cstart, $3  }
0xc1: {  	[dreg:$0x1] =	wrdreg $0xFFFFFFFF  }
0xc2: {  	_ =	task.clear_ibuf [dreg:s7], $0x2FFFF;
	_ =	strace $0x9FFFFFFF  }
0xc3: {  	(tm) =	ssettm $0x7FFFFFFF  }
tec
execute0_lowered:
.L_overlay_start_1:
0x0: {  	(tag) =	ssettag $0x1  }
0x1: {  	s6 =	rddreg [dreg:$0x0]  }
0x2: {  	s1 =	srdreg.scid;
	s11 =	rddreg [dreg:$0x1]  }
0x3: {  	s0 =	stileid.u32;
	s2 =	rddreg [dreg:$0x2];
	s3 =	simm.s32 $0x0  }
0x4: {  	s15 =	simm.s32 $0x2;
	s16 =	simm.s32 $0x2C00;
	s17 =	simm.s32 $0x80  }
0x5: {  	s18 =	simm.s32 $0x1;
	s5 =	sand.u32 $0x1, s1;
	s8 =	smul.u32 $0x14000, s0  }
0x6: {  	s28 =	sshll.u32 s0, $0x1;
	[smem:$0x7FF] =	sst s3;
	s9 =	smul.u32 $0x50000, s0  }
0x7: {  	s4 =	sadd.s32 $0xDA00, s6;
	s19 =	sshll.u32 s0, $0x6;
	s1 =	sor.u32 s5, s28  }
0x8: {  	s7 =	smul.u32 $0x140000, s5;
	s29 =	ssub.s32 $0x2, s5;
	s19 =	sor.u32 $0x1C02, s19  }
0x9: {  	s12 =	smul.u32 $0x580, s1;
	s1 =	rddreg [dreg:$0x3];
	_ =	strace $0x8000004A  }
0xa: {  	s30 =	sshrl.u32 s9, $0x2;
	s31 =	sshrl.u32 s29, $0x1;
	s7 =	sadd.s32 s8, s7  }
0xb: {  	s5 =	sadd.s32 s30, s2;
	s14 =	ssub.s32 s29, s31;
	s10 =	sadd.s32 s12, s6  }
0xc: {  	s7 =	sshrl.u32 s7, $0x3;
	s8 =	sadd.s32 $0xC000, s5;
	s9 =	sadd.s32 $0x10000, s5  }
0xd: {  	s11 =	sadd.s32 s11, s12;
	s20 =	sshrl.u32 s5, $0x3;
	s13 =	sadd.s32 s7, s6  }
0xe: {  	s6 =	sadd.s32 $0x4000, s5;
	s7 =	sadd.s32 $0x8000, s5;
	s10 =	sadd.s32 $0x2A00, s10  }
0xf: {  	v0 =	vimm.f32 $0.0e+00;
	s12 =	sadd.s32 $0x35A00, s13;
	s13 =	smax.u32 s14, $0x1;
	s14 =	simm.s32 $0x5800  }
.LBB2_1:
0x10: {  	s21 =	simm.s32 $0x0;
	s22 =	simm.s32 $0x200  }
.LBB2_2:
0x11: {  	p0 =	sne.s32 s22, $0xFE00;
	[tilespmem:s21+$0x5870] =	vst v0  }
0x12: {  	[tilespmem:s21+$0x5800] =	vst v0  }
0x13: {  	[tilespmem:s21+$0x5810] =	vst v0  }
.Ltmp0:
0x14: {  	[tilespmem:s21+$0x5820] =	vst v0;
	(pc) =	sbr.rel @p0 .LBB2_2-.Ltmp0, $4  }
0x15: {  	[tilespmem:s21+$0x5830] =	vst v0  }
0x16: {  	[tilespmem:s21+$0x5840] =	vst v0  }
0x17: {  	[tilespmem:s21+$0x5850] =	vst v0  }
0x18: {  	[tilespmem:s21+$0x5860] =	vst v0;
	s21 =	sshra.s32 s22, $0x2;
	s22 =	sadd.s32 $0x200, s22  }
0x19: {  	[tilespmem:s21+$0x5870] =	vst v0  }
0x1a: {  	[tilespmem:s21+$0x5800] =	vst v0  }
0x1b: {  	[tilespmem:s21+$0x5810] =	vst v0  }
0x1c: {  	[tilespmem:s21+$0x5820] =	vst v0  }
0x1d: {  	[tilespmem:s21+$0x5830] =	vst v0  }
0x1e: {  	[tilespmem:s21+$0x5840] =	vst v0  }
0x1f: {  	[tilespmem:s21+$0x5850] =	vst v0  }
0x20: {  	[tilespmem:s21+$0x5860] =	vst v0  }
0x21: {  	[spmem:s5] =	stream.linear.scatter [tilespmem:s14], [sflag:$0x2], $0x4000, $0x38;
	[tilespmem:$0x1D800] =	vst v63  }
0x22: {  	_ =	swait.ge [sflag:s15], $0x4000  }
0x23: {  	[sflag:s15] =	ssyncset.done $0x0  }
0x24: {  	[sflag:s15] =	ssyncadd.s32 $0xFFFFC000  }
0x25: {  	[spmem:s6] =	stream.linear.scatter [tilespmem:s14], [sflag:$0x2], $0x4000, $0x38;
	[tilespmem:$0x1D800] =	vst v63  }
0x26: {  	_ =	swait.ge [sflag:s15], $0x4000  }
0x27: {  	[sflag:s15] =	ssyncset.done $0x0  }
0x28: {  	[sflag:s15] =	ssyncadd.s32 $0xFFFFC000  }
0x29: {  	[spmem:s7] =	stream.linear.scatter [tilespmem:s14], [sflag:$0x2], $0x4000, $0x38;
	[tilespmem:$0x1D800] =	vst v63  }
0x2a: {  	_ =	swait.ge [sflag:s15], $0x4000  }
0x2b: {  	[sflag:s15] =	ssyncset.done $0x0  }
0x2c: {  	[sflag:s15] =	ssyncadd.s32 $0xFFFFC000  }
0x2d: {  	[spmem:s8] =	stream.linear.scatter [tilespmem:s14], [sflag:$0x2], $0x4000, $0x38;
	[tilespmem:$0x1D800] =	vst v63  }
0x2e: {  	_ =	swait.ge [sflag:s15], $0x4000  }
0x2f: {  	[sflag:s15] =	ssyncset.done $0x0  }
0x30: {  	[sflag:s15] =	ssyncadd.s32 $0xFFFFC000  }
0x31: {  	[spmem:s9] =	stream.linear.scatter [tilespmem:s14], [sflag:$0x2], $0x4000, $0x38;
	[tilespmem:$0x1D800] =	vst v63  }
0x32: {  	_ =	swait.ge [sflag:s15], $0x4000  }
0x33: {  	[sflag:s15] =	ssyncset.done $0x0  }
0x34: {  	[sflag:s15] =	ssyncadd.s32 $0xFFFFC000  }
0x35: {  	s29 =	simm.s32 $0x0;
	[bflag:$0x0] =	sbarrier.arrive $0xFFFF  }
0x36: {  	[tilespmem:s29], [sflag:$0x2] =	stream.linear.gather [hbm4b:s10+s29], $0x2880, $0x38;
	[tilespmem:$0x1D800] =	vst v63  }
0x37: {  	_ =	swait.ge [sflag:s15], $0x2880  }
0x38: {  	[sflag:s15] =	ssyncset.done $0x0  }
0x39: {  	[sflag:s15] =	ssyncadd.s32 $0xFFFFD780  }
0x3a: {  	[tilespmem:s16], [sflag:$0x2] =	stream.linear.gather [hbm4b:s11+s29], $0x2880, $0x38;
	[tilespmem:$0x1D800] =	vst v63  }
0x3b: {  	_ =	swait.ge [sflag:s15], $0x2880  }
0x3c: {  	[sflag:s15] =	ssyncset.done $0x0  }
0x3d: {  	s30 =	simm.s32 $0x0;
	[sflag:s15] =	ssyncadd.s32 $0xFFFFD780  }
0x3e: {  	[tilespmem:s14], [sflag:$0x1] =	stream.indirect.gather [hbm4b:s4+s17], $0x80, s30, s17, $0xb8;
	[tilespmem:$0x1D800] =	vst v63  }
0x3f: {  	_ =	swait.ge [sflag:s18], $0x4000  }
0x40: {  	[sflag:s18] =	ssyncset.done $0x0  }
0x41: {  	s31 =	simm.s32 $0x2C00;
	[sflag:s18] =	ssyncadd.s32 $0xFFFFC000  }
0x42: {  	[spmem:s2] =	stream.indirect.scatter.add.f32 [tilespmem:s14], [sflag:$0x2], $0x80, s31, s17, $0xb8;
	[tilespmem:$0x1D800] =	vst v63  }
0x43: {  	_ =	swait.ge [sflag:s15], $0x4000  }
0x44: {  	s21 =	simm.s32 $0x200;
	s22 =	simm.s32 $0x400;
	[sflag:s15] =	ssyncset.done $0x0  }
.LBB2_4:
0x45: {  	s23 =	sshra.s32 s21, $0x2  }
0x46: {  	[sflag:s15] =	ssyncadd.s32 $0xFFFFC000;
	s21 =	smov.u32 s22;
	s24 =	sadd.s32 $0x200, s22  }
0x47: {  	[tilespmem:s14], [sflag:$0x1] =	stream.indirect.gather [hbm4b:s4+s17], $0x80, s23, s17, $0xb8;
	[tilespmem:$0x1D800] =	vst v63  }
0x48: {  	p0 =	sne.s32 s22, $0xA000;
	_ =	swait.ge [sflag:s18], $0x4000  }
.Ltmp1:
0x49: {  	[sflag:s18] =	ssyncset.done $0x0;
	(pc) =	sbr.rel @p0 .LBB2_4-.Ltmp1, $4  }
0x4a: {  	s22 =	sadd.s32 $0x2C00, s23;
	[sflag:s18] =	ssyncadd.s32 $0xFFFFC000  }
0x4b: {  	[spmem:s2] =	stream.indirect.scatter.add.f32 [tilespmem:s14], [sflag:$0x2], $0x80, s22, s17, $0xb8;
	[tilespmem:$0x1D800] =	vst v63  }
0x4c: {  	_ =	swait.ge [sflag:s15], $0x4000  }
0x4d: {  	s22 =	smov.u32 s24;
	[sflag:s15] =	ssyncset.done $0x0  }
0x4e: {  	s21 =	sshra.s32 s21, $0x2;
	[sflag:s15] =	ssyncadd.s32 $0xFFFFC000  }
0x4f: {  	[tilespmem:s14], [sflag:$0x1] =	stream.indirect.gather [hbm4b:s4+s17], $0x80, s21, s17, $0xb8;
	[tilespmem:$0x1D800] =	vst v63  }
0x50: {  	_ =	swait.ge [sflag:s18], $0x4000  }
0x51: {  	[sflag:s18] =	ssyncset.done $0x0  }
0x52: {  	s21 =	sadd.s32 $0x2C00, s21;
	[sflag:s18] =	ssyncadd.s32 $0xFFFFC000  }
0x53: {  	[spmem:s2] =	stream.indirect.scatter.add.f32 [tilespmem:s14], [sflag:$0x2], $0x80, s21, s17, $0xb8;
	[tilespmem:$0x1D800] =	vst v63  }
0x54: {  	_ =	swait.ge [sflag:s15], $0x4000  }
0x55: {  	s3 =	sadd.s32 $0x1, s3;
	[sflag:s15] =	ssyncset.done $0x0  }
0x56: {  	p0 =	sne.s32 s3, s13;
	[sflag:s15] =	ssyncadd.s32 $0xFFFFC000  }
.Ltmp2:
0x57: {  	[bflag:$0x0] =	sbarrier.arrive $0xFFFF;
	(pc) =	sbr.rel @p0 .LBB2_1-.Ltmp2, $4  }
0x58: {  	[hbm:s12], [sflag:s19] =	dma.local [spmem:s20], $0x2800  }
0x59: {  	_ =	swait.ge [sflag:s15], $0x2800  }
0x5a: {  	[sflag:s15] =	ssyncset.done $0x0  }
0x5b: {  	[sflag:s15] =	ssyncadd.s32 $0xFFFFD800  }
0x5c: {  	_ =	sfence.sel $0x180000  }
0x5d: {  	[bflag:$0x0] =	sbarrier.arrive $0xFFFF  }
0x5e: {  	p0 =	sne.s32 s0, $0x0;
	_ =	strace $0x9000004A  }
0x5f: {  	s0 =	sadd.s32 @!p0 $0x100000, s1;
	[bflag:$0x2] =	sbarrier.arrive $0xFFFF  }
0x60: {  	[sflag:s0] =	ssyncadd.tile.s32 @!p0 $0x1;
	_ =	shalt  }
.Lfunc_end2:
_tile_overlayer_lowered:
.L_overlay_start_2:
0x61: {  	(tag) =	ssettag $0x2  }
0x62: {  	s0 =	rddreg [dreg:$0x0];
	s2 =	stileid.u32  }
0x63: {  	s1 =	rddreg [dreg:$0x1];
	p0 =	sne.s32 s2, $0x0  }
0x64: {  	s3 =	rddreg [dreg:$0x2];
	[bflag:$0x3] =	sbarrier.arrive $0xFFFF;
	s2 =	simm.s32 @!p0 $0x1C02  }
0x65: {  	[timem:s3], [sflag:s2] =	dma.local @!p0 [hbm:s0], s1  }
0x66: {  	s0 =	simm.s32 @!p0 $0x2  }
0x67: {  	_ =	swait.ge @!p0 [sflag:s0], s1  }
0x68: {  	s1 =	ssub.s32 @!p0 $0x0, s1;
	[sflag:s0] =	ssyncset.done @!p0 $0x0  }
0x69: {  	[sflag:s0] =	ssyncadd.s32 @!p0 s1  }
0x6a: {  	[bflag:$0x3] =	sbarrier.arrive $0xFFFF  }
0x6b: {  	_ =	shalt  }

// kernel: kernel.14.cloned.1.call-start
scs
__scs_entry_jumppad:
0x0: {  	(pc) =	sbr.rel $0x88, $3  }
0x1: {  	(tag) =	ssettag $0x0;
	lr =	simm.s32 $0x1  }
0x2: {  	[smem:$0x3F9B] =	sst lr;
	_ =	strace $0xD0000000  }
0x3: {  	_ = 	snop  }
0x4: {  	_ = 	snop  }
0x5: {  	_ = 	snop  }
0x6: {  	_ = 	snop  }
0x7: {  	_ = 	snop  }
__scs_overlays_trampoline_lowered:
0x8: {  	[smem:$0x3FAA] =	sst s0  }
0x9: {  	[smem:$0x3FAB] =	sst s1  }
0xa: {  	[smem:$0x3FAC] =	sst s2  }
0xb: {  	[smem:$0x3FAD] =	sst s3  }
0xc: {  	[smem:$0x3FAE] =	sst s4  }
0xd: {  	[smem:$0x3FAF] =	sst s5  }
0xe: {  	[smem:$0x3FB0] =	sst s6  }
0xf: {  	[smem:$0x3FB1] =	sst s7  }
0x10: {  	[smem:$0x3FB2] =	sst s8  }
0x11: {  	[smem:$0x3FB3] =	sst s9;
	s0 =	simm.s32 @!p0 $0x0  }
0x12: {  	s1 =	sld [smem:$0x3F99];
	s0 =	simm.s32 @p0 $0x1  }
0x13: {  	[smem:$0x3FB4] =	sst s0;
	s0 =	simm.s32 @!p1 $0x0  }
0x14: {  	s2 =	sld [smem:$0x3F98];
	s0 =	simm.s32 @p1 $0x1  }
0x15: {  	[smem:$0x3FB5] =	sst s0;
	s0 =	simm.s32 @!p2 $0x0  }
0x16: {  	s3 =	sld [smem:$0x3FDB];
	s0 =	simm.s32 @p2 $0x1  }
0x17: {  	s4 =	simm.s32 $0x1BF5;
	[smem:$0x3FB7] =	sst s0  }
0x18: {  	s0 =	sld [smem:$0x3F9A];
	_ =	swait.ge [sflag:s4], $0x0  }
0x19: {  	s7 =	sld [smem:$0x3F9B]  }
0x1a: {  	s8 =	sadd.s32 $0xFFFFE003, lr  }
0x1b: {  	s9 =	sadd.s32 $0xFFFFFEF7, lr;
	s5 =	simm.s32 $0xFFFFFFFF;
	p2 =	slt.u32 s8, $0xFFFFF086  }
0x1c: {  	p1 =	slt.u32 s9, $0xF7A;
	s5 =	simm.s32 @!p2 $0x0  }
0x1d: {  	s5 =	simm.s32 @p1 $0x1;
	p0 =	seq.s32 s7, s2  }
0x1e: {  	s7 =	smul.u32 @!p0 $0xF7A, s2;
	p2 =	seq.s32 @!p0 s5, $0x0  }
0x1f: {  	s9 =	smul.u32 $0xF7A, s1;
	s8 =	simm.s32 @!p0 $0x1BF5;
	p2 =	por !p2, p0  }
0x20: {  	[sflag:s8] =	ssyncset.s32 @!p0 $0xFFFFF086;
	s6 =	sadd.s32 @!p0 s3, s7;
	s7 =	simm.s32 @!p0 $0x108  }
0x21: {  	s3 =	sadd.s32 s3, s9;
	s6 =	sadd.s32 @!p0 $0x88, s6;
	s7 =	simm.s32 @p2 $0x1082  }
0x22: {  	[simem:s7], [sflag:s8] =	dma.local @!p0 [hbm:s6], $0xF7A  }
0x23: {  	s9 =	sor.u32 $0xD0000000, s2;
	s6 =	simm.s32 $0x108;
	_ =	swait.ge @!p0 [sflag:s8], $0x0  }
0x24: {  	s3 =	sadd.s32 $0x88, s3;
	s6 =	simm.s32 @!p1 $0x1082;
	[sflag:s4] =	ssyncset.s32 $0xFFFFF086  }
0x25: {  	[simem:s6], [sflag:s4] =	dma.local [hbm:s3], $0xF7A  }
0x26: {  	[smem:$0x3F9B] =	sst s1;
	(tag) =	ssettag s2;
	_ =	strace s9  }
0x27: {  	s1 =	sld [smem:$0x3FAB]  }
0x28: {  	s2 =	sld [smem:$0x3FAC]  }
0x29: {  	s4 =	sld [smem:$0x3FAE]  }
0x2a: {  	p0 =	seq.s32 s5, $0x0;
	s5 =	sld [smem:$0x3FAF]  }
0x2b: {  	s6 =	sld [smem:$0x3FB0]  }
0x2c: {  	s7 =	sld [smem:$0x3FB1]  }
0x2d: {  	s3 =	simm.s32 $0x108;
	s8 =	sld [smem:$0x3FB2]  }
0x2e: {  	s3 =	simm.s32 @!p0 $0x1082;
	s9 =	sld [smem:$0x3FB3]  }
0x2f: {  	lr =	sadd.s32 s0, s3;
	s0 =	sld [smem:$0x3FAA]  }
0x30: {  	s3 =	sld [smem:$0x3FAD]  }
0x31: {  	[smem:$0x3FB6] =	sst s10  }
0x32: {  	s10 =	sld [smem:$0x3FB4];
	_ =	sdelay $0x3  }
0x33: {  	p0 =	seq.s32 s10, $0x1;
	s10 =	sld [smem:$0x3FB6];
	_ =	sdelay $0x3  }
0x34: {  	[smem:$0x3FB6] =	sst s10  }
0x35: {  	s10 =	sld [smem:$0x3FB5];
	_ =	sdelay $0x3  }
0x36: {  	p1 =	seq.s32 s10, $0x1;
	s10 =	sld [smem:$0x3FB6];
	_ =	sdelay $0x3  }
0x37: {  	[smem:$0x3FB6] =	sst s10  }
0x38: {  	s10 =	sld [smem:$0x3FB7]  }
0x39: {  	_ = 	snop;
	(pc) =	sbr.ind lr, $3  }
0x3a: {  	_ = 	snop  }
0x3b: {  	_ = 	snop  }
0x3c: {  	p2 =	seq.s32 s10, $0x1;
	s10 =	sld [smem:$0x3FB6]  }
0x3d: {  	_ =	shalt  }
0x3e: {  	_ =	shalt  }
0x3f: {  	_ =	shalt  }
0x40: {  	_ =	shalt  }
0x41: {  	_ =	shalt  }
0x42: {  	_ =	shalt  }
0x43: {  	_ =	shalt  }
0x44: {  	_ =	shalt  }
0x45: {  	_ =	shalt  }
0x46: {  	_ =	shalt  }
0x47: {  	_ =	shalt  }
0x48: {  	_ =	shalt  }
0x49: {  	_ =	shalt  }
0x4a: {  	_ =	shalt  }
0x4b: {  	_ =	shalt  }
0x4c: {  	_ =	shalt  }
0x4d: {  	_ =	shalt  }
0x4e: {  	_ =	shalt  }
0x4f: {  	_ =	shalt  }
0x50: {  	_ =	shalt  }
0x51: {  	_ =	shalt  }
0x52: {  	_ =	shalt  }
0x53: {  	_ =	shalt  }
0x54: {  	_ =	shalt  }
0x55: {  	_ =	shalt  }
0x56: {  	_ =	shalt  }
0x57: {  	_ =	shalt  }
0x58: {  	_ =	shalt  }
0x59: {  	_ =	shalt  }
0x5a: {  	_ =	shalt  }
0x5b: {  	_ =	shalt  }
0x5c: {  	_ =	shalt  }
0x5d: {  	_ =	shalt  }
0x5e: {  	_ =	shalt  }
0x5f: {  	_ =	shalt  }
0x60: {  	_ =	shalt  }
0x61: {  	_ =	shalt  }
0x62: {  	_ =	shalt  }
0x63: {  	_ =	shalt  }
0x64: {  	_ =	shalt  }
0x65: {  	_ =	shalt  }
0x66: {  	_ =	shalt  }
0x67: {  	_ =	shalt  }
0x68: {  	_ =	shalt  }
0x69: {  	_ =	shalt  }
0x6a: {  	_ =	shalt  }
0x6b: {  	_ =	shalt  }
0x6c: {  	_ =	shalt  }
0x6d: {  	_ =	shalt  }
0x6e: {  	_ =	shalt  }
0x6f: {  	_ =	shalt  }
0x70: {  	_ =	shalt  }
0x71: {  	_ =	shalt  }
0x72: {  	_ =	shalt  }
0x73: {  	_ =	shalt  }
0x74: {  	_ =	shalt  }
0x75: {  	_ =	shalt  }
0x76: {  	_ =	shalt  }
0x77: {  	_ =	shalt  }
0x78: {  	_ =	shalt  }
0x79: {  	_ =	shalt  }
0x7a: {  	_ =	shalt  }
0x7b: {  	_ =	shalt  }
0x7c: {  	_ =	shalt  }
0x7d: {  	_ =	shalt  }
0x7e: {  	_ =	shalt  }
0x7f: {  	_ =	shalt  }
0x80: {  	_ =	shalt  }
0x81: {  	_ =	shalt  }
0x82: {  	_ =	shalt  }
0x83: {  	_ =	shalt  }
0x84: {  	_ =	shalt  }
0x85: {  	_ =	shalt  }
0x86: {  	_ =	shalt  }
0x87: {  	_ =	shalt  }
.Lfunc_end0:
.L_simem_size_0:
called_computation.2_lowered:
.L_overlay_start_0:
0x88: {  	s2 =	sld [smem:$0x3FD9]  }
0x89: {  	s3 =	sld [smem:$0x3FFE];
	_ =	sdelay $0x1  }
0x8a: {  	s1 =	srdreg.scid  }
0x8b: {  	s0 =	sand.u32 $0x1, s1  }
0x8c: {  	s17 =	sshll.u32 s0, $0xA;
	s2 =	sadd.s32 s3, s2  }
0x8d: {  	s2 =	sadd.s32 s2, s17  }
0x8e: {  	[smem:$0x3FC2] =	sst s2  }
0x8f: {  	_ = 	snop  }
0x90: {  	s2 =	sld [smem:$0x3FD0];
	(tm) =	ssettm $0x1  }
0x91: {  	s18 =	sld [smem:$0x3FFB];
	_ =	sdelay $0x3  }
0x92: {  	_ =	strace s18  }
0x93: {  	s3 =	sld [smem:$0x3FFC];
	_ =	sdelay $0x3  }
0x94: {  	_ =	strace s3  }
0x95: {  	s3 =	sld [smem:$0x3FFD];
	_ =	sdelay $0x3  }
0x96: {  	_ =	strace s3  }
0x97: {  	_ =	strace $0x8FFFFFFF  }
0x98: {  	s19 =	sld [smem:$0x3FDB];
	_ =	sdelay $0x1  }
0x99: {  	s4 =	simm.s32 $_scs_section_size  }
0x9a: {  	s5 =	simm.s32 $_size__tile_overlayer_lowered;
	s6 =	simm.s32 $_tile_overlayer_lowered  }
0x9b: {  	s22 =	simm.s32 $0x1BFF;
	s21 =	sshll.u32 s6, $0x1;
	s3 =	sadd.s32 s4, s19  }
0x9c: {  	s7 =	simm.s32 $0x0;
	s20 =	sshll.u32 s5, $0x1;
	s5 =	sadd.s32 s21, s3  }
0x9d: {  	[timem:s7], [sflag:s22] =	dma.local [hbm:s5], s20  }
0x9e: {  	_ =	swait.ge [sflag:s22], s20  }
0x9f: {  	s4 =	ssub.s32 $0x0, s20;
	[sflag:s22] =	ssyncset.done $0x0  }
0xa0: {  	[sflag:s22] =	ssyncadd.s32 s4;
	_ =	sdelay $0x1  }
0xa1: {  	s23 =	simm.s32 $0x1B8B  }
0xa2: {  	_ =	swait.ge [sflag:s23], $0x1  }
0xa3: {  	[sflag:s23] =	ssyncset.done $0x0  }
0xa4: {  	s25 =	simm.s32 $0x1B8E;
	s24 =	sld [smem:$0x3FFE];
	[sflag:s23] =	ssyncadd.s32 $0xFFFFFFFF  }
0xa5: {  	s26 =	simm.s32 $execute0_lowered;
	[smem:$0x3FD2] =	sst s25  }
0xa6: {  	s5 =	sshll.u32 s26, $0x1;
	_ =	strace $0x8000004C;
	[dreg:$0x1] =	wrdreg $0xFFFFFFFF  }
0xa7: {  	s28 =	simm.s32 $_size_execute0_lowered;
	s3 =	sadd.s32 s3, s5;
	[dreg:$0x0] =	wrdreg $0x0  }
0xa8: {  	s5 =	sshll.u32 s28, $0x1;
	[dreg:$0x2] =	wrdreg s3  }
0xa9: {  	[dreg:$0x3] =	wrdreg s5  }
0xaa: {  	[dreg:$0x4] =	wrdreg $0xC0  }
0xab: {  	_ =	task [dreg:s7], $0x5FFFF  }
0xac: {  	[dreg:$0x1] =	wrdreg $0xFFFFFFFF  }
0xad: {  	[dreg:$0x0] =	wrdreg $0x60  }
0xae: {  	[dreg:$0x2] =	wrdreg s24  }
0xaf: {  	[dreg:$0x3] =	wrdreg s2  }
0xb0: {  	[dreg:$0x4] =	wrdreg $0x98000  }
0xb1: {  	[dreg:$0x5] =	wrdreg $0x9  }
0xb2: {  	_ =	task.clear_ibuf [dreg:s7], $0x6FFFF;
	_ =	strace $0x9000004C  }
0xb3: {  	s29 =	simm.s32 $0x9;
	_ =	strace $0x8000004E  }
0xb4: {  	_ =	swait.ge [sflag:s29], $0x1  }
0xb5: {  	[sflag:s29] =	ssyncadd.s32 $0xFFFFFFFF  }
0xb6: {  	_ =	strace $0x9000004E  }
0xb7: {  	_ =	sfence  }
0xb8: {  	s30 =	sld [smem:$0x0];
	_ =	sdelay $0x2  }
0xb9: {  	s31 =	sshll.u32 s1, $0xD;
	s1 =	sshrl.u32 s1, $0x2  }
0xba: {  	s3 =	sand.u32 $0x4000, s31;
	s1 =	sadd.s32 s1, s30  }
0xbb: {  	s0 =	sor.u32 s3, s0;
	s1 =	sshll.u32 s1, $0x11  }
0xbc: {  	s0 =	sor.u32 s1, s0  }
0xbd: {  	s0 =	sadd.s32 $0x8F2B, s0  }
0xbe: {  	[sflag:s0] =	ssyncadd.remote.s32 $0x1  }
0xbf: {  	_ =	sfence.sel $0xFFFF  }
0xc0: {  	[dreg:$0x0] =	wrdreg $0xFFFFFFFF;
	(pc) =	sbr.abs _section_cstart, $3  }
0xc1: {  	[dreg:$0x1] =	wrdreg $0xFFFFFFFF  }
0xc2: {  	_ =	task.clear_ibuf [dreg:s7], $0x2FFFF;
	_ =	strace $0x9FFFFFFF  }
0xc3: {  	(tm) =	ssettm $0x7FFFFFFF  }
tec
execute0_lowered:
.L_overlay_start_1:
0x0: {  	(tag) =	ssettag $0x1  }
0x1: {  	s6 =	rddreg [dreg:$0x0]  }
0x2: {  	s1 =	srdreg.scid;
	s11 =	rddreg [dreg:$0x1]  }
0x3: {  	s0 =	stileid.u32;
	s2 =	rddreg [dreg:$0x2];
	s3 =	simm.s32 $0x0  }
0x4: {  	s15 =	simm.s32 $0x2;
	s16 =	simm.s32 $0x2C00;
	s17 =	simm.s32 $0x80  }
0x5: {  	s18 =	simm.s32 $0x1;
	s5 =	sand.u32 $0x1, s1;
	s8 =	smul.u32 $0x14000, s0  }
0x6: {  	s28 =	sshll.u32 s0, $0x1;
	[smem:$0x7FF] =	sst s3;
	s9 =	smul.u32 $0x50000, s0  }
0x7: {  	s4 =	sadd.s32 $0xDA00, s6;
	s19 =	sshll.u32 s0, $0x6;
	s1 =	sor.u32 s5, s28  }
0x8: {  	s7 =	smul.u32 $0x140000, s5;
	s29 =	ssub.s32 $0x2, s5;
	s19 =	sor.u32 $0x1C02, s19  }
0x9: {  	s12 =	smul.u32 $0x580, s1;
	s1 =	rddreg [dreg:$0x3];
	_ =	strace $0x8000004D  }
0xa: {  	s30 =	sshrl.u32 s9, $0x2;
	s31 =	sshrl.u32 s29, $0x1;
	s7 =	sadd.s32 s8, s7  }
0xb: {  	s5 =	sadd.s32 s30, s2;
	s14 =	ssub.s32 s29, s31;
	s10 =	sadd.s32 s12, s6  }
0xc: {  	s7 =	sshrl.u32 s7, $0x3;
	s8 =	sadd.s32 $0xC000, s5;
	s9 =	sadd.s32 $0x10000, s5  }
0xd: {  	s11 =	sadd.s32 s11, s12;
	s20 =	sshrl.u32 s5, $0x3;
	s13 =	sadd.s32 s7, s6  }
0xe: {  	s6 =	sadd.s32 $0x4000, s5;
	s7 =	sadd.s32 $0x8000, s5;
	s10 =	sadd.s32 $0x2A00, s10  }
0xf: {  	v0 =	vimm.f32 $0.0e+00;
	s12 =	sadd.s32 $0x35A00, s13;
	s13 =	smax.u32 s14, $0x1;
	s14 =	simm.s32 $0x5800  }
.LBB2_1:
0x10: {  	s21 =	simm.s32 $0x0;
	s22 =	simm.s32 $0x200  }
.LBB2_2:
0x11: {  	p0 =	sne.s32 s22, $0xFE00;
	[tilespmem:s21+$0x5870] =	vst v0  }
0x12: {  	[tilespmem:s21+$0x5800] =	vst v0  }
0x13: {  	[tilespmem:s21+$0x5810] =	vst v0  }
.Ltmp0:
0x14: {  	[tilespmem:s21+$0x5820] =	vst v0;
	(pc) =	sbr.rel @p0 .LBB2_2-.Ltmp0, $4  }
0x15: {  	[tilespmem:s21+$0x5830] =	vst v0  }
0x16: {  	[tilespmem:s21+$0x5840] =	vst v0  }
0x17: {  	[tilespmem:s21+$0x5850] =	vst v0  }
0x18: {  	[tilespmem:s21+$0x5860] =	vst v0;
	s21 =	sshra.s32 s22, $0x2;
	s22 =	sadd.s32 $0x200, s22  }
0x19: {  	[tilespmem:s21+$0x5870] =	vst v0  }
0x1a: {  	[tilespmem:s21+$0x5800] =	vst v0  }
0x1b: {  	[tilespmem:s21+$0x5810] =	vst v0  }
0x1c: {  	[tilespmem:s21+$0x5820] =	vst v0  }
0x1d: {  	[tilespmem:s21+$0x5830] =	vst v0  }
0x1e: {  	[tilespmem:s21+$0x5840] =	vst v0  }
0x1f: {  	[tilespmem:s21+$0x5850] =	vst v0  }
0x20: {  	[tilespmem:s21+$0x5860] =	vst v0  }
0x21: {  	[spmem:s5] =	stream.linear.scatter [tilespmem:s14], [sflag:$0x2], $0x4000, $0x38;
	[tilespmem:$0x1D800] =	vst v63  }
0x22: {  	_ =	swait.ge [sflag:s15], $0x4000  }
0x23: {  	[sflag:s15] =	ssyncset.done $0x0  }
0x24: {  	[sflag:s15] =	ssyncadd.s32 $0xFFFFC000  }
0x25: {  	[spmem:s6] =	stream.linear.scatter [tilespmem:s14], [sflag:$0x2], $0x4000, $0x38;
	[tilespmem:$0x1D800] =	vst v63  }
0x26: {  	_ =	swait.ge [sflag:s15], $0x4000  }
0x27: {  	[sflag:s15] =	ssyncset.done $0x0  }
0x28: {  	[sflag:s15] =	ssyncadd.s32 $0xFFFFC000  }
0x29: {  	[spmem:s7] =	stream.linear.scatter [tilespmem:s14], [sflag:$0x2], $0x4000, $0x38;
	[tilespmem:$0x1D800] =	vst v63  }
0x2a: {  	_ =	swait.ge [sflag:s15], $0x4000  }
0x2b: {  	[sflag:s15] =	ssyncset.done $0x0  }
0x2c: {  	[sflag:s15] =	ssyncadd.s32 $0xFFFFC000  }
0x2d: {  	[spmem:s8] =	stream.linear.scatter [tilespmem:s14], [sflag:$0x2], $0x4000, $0x38;
	[tilespmem:$0x1D800] =	vst v63  }
0x2e: {  	_ =	swait.ge [sflag:s15], $0x4000  }
0x2f: {  	[sflag:s15] =	ssyncset.done $0x0  }
0x30: {  	[sflag:s15] =	ssyncadd.s32 $0xFFFFC000  }
0x31: {  	[spmem:s9] =	stream.linear.scatter [tilespmem:s14], [sflag:$0x2], $0x4000, $0x38;
	[tilespmem:$0x1D800] =	vst v63  }
0x32: {  	_ =	swait.ge [sflag:s15], $0x4000  }
0x33: {  	[sflag:s15] =	ssyncset.done $0x0  }
0x34: {  	[sflag:s15] =	ssyncadd.s32 $0xFFFFC000  }
0x35: {  	s29 =	simm.s32 $0x0;
	[bflag:$0x0] =	sbarrier.arrive $0xFFFF  }
0x36: {  	[tilespmem:s29], [sflag:$0x2] =	stream.linear.gather [hbm4b:s10+s29], $0x2880, $0x38;
	[tilespmem:$0x1D800] =	vst v63  }
0x37: {  	_ =	swait.ge [sflag:s15], $0x2880  }
0x38: {  	[sflag:s15] =	ssyncset.done $0x0  }
0x39: {  	[sflag:s15] =	ssyncadd.s32 $0xFFFFD780  }
0x3a: {  	[tilespmem:s16], [sflag:$0x2] =	stream.linear.gather [hbm4b:s11+s29], $0x2880, $0x38;
	[tilespmem:$0x1D800] =	vst v63  }
0x3b: {  	_ =	swait.ge [sflag:s15], $0x2880  }
0x3c: {  	[sflag:s15] =	ssyncset.done $0x0  }
0x3d: {  	s30 =	simm.s32 $0x0;
	[sflag:s15] =	ssyncadd.s32 $0xFFFFD780  }
0x3e: {  	[tilespmem:s14], [sflag:$0x1] =	stream.indirect.gather [hbm4b:s4+s17], $0x80, s30, s17, $0xb8;
	[tilespmem:$0x1D800] =	vst v63  }
0x3f: {  	_ =	swait.ge [sflag:s18], $0x4000  }
0x40: {  	[sflag:s18] =	ssyncset.done $0x0  }
0x41: {  	s31 =	simm.s32 $0x2C00;
	[sflag:s18] =	ssyncadd.s32 $0xFFFFC000  }
0x42: {  	[spmem:s2] =	stream.indirect.scatter.add.f32 [tilespmem:s14], [sflag:$0x2], $0x80, s31, s17, $0xb8;
	[tilespmem:$0x1D800] =	vst v63  }
0x43: {  	_ =	swait.ge [sflag:s15], $0x4000  }
0x44: {  	s21 =	simm.s32 $0x200;
	s22 =	simm.s32 $0x400;
	[sflag:s15] =	ssyncset.done $0x0  }
.LBB2_4:
0x45: {  	s23 =	sshra.s32 s21, $0x2  }
0x46: {  	[sflag:s15] =	ssyncadd.s32 $0xFFFFC000;
	s21 =	smov.u32 s22;
	s24 =	sadd.s32 $0x200, s22  }
0x47: {  	[tilespmem:s14], [sflag:$0x1] =	stream.indirect.gather [hbm4b:s4+s17], $0x80, s23, s17, $0xb8;
	[tilespmem:$0x1D800] =	vst v63  }
0x48: {  	p0 =	sne.s32 s22, $0xA000;
	_ =	swait.ge [sflag:s18], $0x4000  }
.Ltmp1:
0x49: {  	[sflag:s18] =	ssyncset.done $0x0;
	(pc) =	sbr.rel @p0 .LBB2_4-.Ltmp1, $4  }
0x4a: {  	s22 =	sadd.s32 $0x2C00, s23;
	[sflag:s18] =	ssyncadd.s32 $0xFFFFC000  }
0x4b: {  	[spmem:s2] =	stream.indirect.scatter.add.f32 [tilespmem:s14], [sflag:$0x2], $0x80, s22, s17, $0xb8;
	[tilespmem:$0x1D800] =	vst v63  }
0x4c: {  	_ =	swait.ge [sflag:s15], $0x4000  }
0x4d: {  	s22 =	smov.u32 s24;
	[sflag:s15] =	ssyncset.done $0x0  }
0x4e: {  	s21 =	sshra.s32 s21, $0x2;
	[sflag:s15] =	ssyncadd.s32 $0xFFFFC000  }
0x4f: {  	[tilespmem:s14], [sflag:$0x1] =	stream.indirect.gather [hbm4b:s4+s17], $0x80, s21, s17, $0xb8;
	[tilespmem:$0x1D800] =	vst v63  }
0x50: {  	_ =	swait.ge [sflag:s18], $0x4000  }
0x51: {  	[sflag:s18] =	ssyncset.done $0x0  }
0x52: {  	s21 =	sadd.s32 $0x2C00, s21;
	[sflag:s18] =	ssyncadd.s32 $0xFFFFC000  }
0x53: {  	[spmem:s2] =	stream.indirect.scatter.add.f32 [tilespmem:s14], [sflag:$0x2], $0x80, s21, s17, $0xb8;
	[tilespmem:$0x1D800] =	vst v63  }
0x54: {  	_ =	swait.ge [sflag:s15], $0x4000  }
0x55: {  	s3 =	sadd.s32 $0x1, s3;
	[sflag:s15] =	ssyncset.done $0x0  }
0x56: {  	p0 =	sne.s32 s3, s13;
	[sflag:s15] =	ssyncadd.s32 $0xFFFFC000  }
.Ltmp2:
0x57: {  	[bflag:$0x0] =	sbarrier.arrive $0xFFFF;
	(pc) =	sbr.rel @p0 .LBB2_1-.Ltmp2, $4  }
0x58: {  	[hbm:s12], [sflag:s19] =	dma.local [spmem:s20], $0x2800  }
0x59: {  	_ =	swait.ge [sflag:s15], $0x2800  }
0x5a: {  	[sflag:s15] =	ssyncset.done $0x0  }
0x5b: {  	[sflag:s15] =	ssyncadd.s32 $0xFFFFD800  }
0x5c: {  	_ =	sfence.sel $0x180000  }
0x5d: {  	[bflag:$0x0] =	sbarrier.arrive $0xFFFF  }
0x5e: {  	p0 =	sne.s32 s0, $0x0;
	_ =	strace $0x9000004D  }
0x5f: {  	s0 =	sadd.s32 @!p0 $0x100000, s1;
	[bflag:$0x2] =	sbarrier.arrive $0xFFFF  }
0x60: {  	[sflag:s0] =	ssyncadd.tile.s32 @!p0 $0x1;
	_ =	shalt  }
.Lfunc_end2:
_tile_overlayer_lowered:
.L_overlay_start_2:
0x61: {  	(tag) =	ssettag $0x2  }
0x62: {  	s0 =	rddreg [dreg:$0x0];
	s2 =	stileid.u32  }
0x63: {  	s1 =	rddreg [dreg:$0x1];
	p0 =	sne.s32 s2, $0x0  }
0x64: {  	s3 =	rddreg [dreg:$0x2];
	[bflag:$0x3] =	sbarrier.arrive $0xFFFF;
	s2 =	simm.s32 @!p0 $0x1C02  }
0x65: {  	[timem:s3], [sflag:s2] =	dma.local @!p0 [hbm:s0], s1  }
0x66: {  	s0 =	simm.s32 @!p0 $0x2  }
0x67: {  	_ =	swait.ge @!p0 [sflag:s0], s1  }
0x68: {  	s1 =	ssub.s32 @!p0 $0x0, s1;
	[sflag:s0] =	ssyncset.done @!p0 $0x0  }
0x69: {  	[sflag:s0] =	ssyncadd.s32 @!p0 s1  }
0x6a: {  	[bflag:$0x3] =	sbarrier.arrive $0xFFFF  }
0x6b: {  	_ =	shalt  }

// kernel: kernel.8.cloned.1.call-start
scs
__scs_entry_jumppad:
0x0: {  	(pc) =	sbr.rel $0x88, $3  }
0x1: {  	(tag) =	ssettag $0x0;
	lr =	simm.s32 $0x1  }
0x2: {  	[smem:$0x3F9B] =	sst lr;
	_ =	strace $0xD0000000  }
0x3: {  	_ = 	snop  }
0x4: {  	_ = 	snop  }
0x5: {  	_ = 	snop  }
0x6: {  	_ = 	snop  }
0x7: {  	_ = 	snop  }
__scs_overlays_trampoline_lowered:
0x8: {  	[smem:$0x3FAA] =	sst s0  }
0x9: {  	[smem:$0x3FAB] =	sst s1  }
0xa: {  	[smem:$0x3FAC] =	sst s2  }
0xb: {  	[smem:$0x3FAD] =	sst s3  }
0xc: {  	[smem:$0x3FAE] =	sst s4  }
0xd: {  	[smem:$0x3FAF] =	sst s5  }
0xe: {  	[smem:$0x3FB0] =	sst s6  }
0xf: {  	[smem:$0x3FB1] =	sst s7  }
0x10: {  	[smem:$0x3FB2] =	sst s8  }
0x11: {  	[smem:$0x3FB3] =	sst s9;
	s0 =	simm.s32 @!p0 $0x0  }
0x12: {  	s1 =	sld [smem:$0x3F99];
	s0 =	simm.s32 @p0 $0x1  }
0x13: {  	[smem:$0x3FB4] =	sst s0;
	s0 =	simm.s32 @!p1 $0x0  }
0x14: {  	s2 =	sld [smem:$0x3F98];
	s0 =	simm.s32 @p1 $0x1  }
0x15: {  	[smem:$0x3FB5] =	sst s0;
	s0 =	simm.s32 @!p2 $0x0  }
0x16: {  	s3 =	sld [smem:$0x3FDB];
	s0 =	simm.s32 @p2 $0x1  }
0x17: {  	s4 =	simm.s32 $0x1BF5;
	[smem:$0x3FB7] =	sst s0  }
0x18: {  	s0 =	sld [smem:$0x3F9A];
	_ =	swait.ge [sflag:s4], $0x0  }
0x19: {  	s7 =	sld [smem:$0x3F9B]  }
0x1a: {  	s8 =	sadd.s32 $0xFFFFE003, lr  }
0x1b: {  	s9 =	sadd.s32 $0xFFFFFEF7, lr;
	s5 =	simm.s32 $0xFFFFFFFF;
	p2 =	slt.u32 s8, $0xFFFFF086  }
0x1c: {  	p1 =	slt.u32 s9, $0xF7A;
	s5 =	simm.s32 @!p2 $0x0  }
0x1d: {  	s5 =	simm.s32 @p1 $0x1;
	p0 =	seq.s32 s7, s2  }
0x1e: {  	s7 =	smul.u32 @!p0 $0xF7A, s2;
	p2 =	seq.s32 @!p0 s5, $0x0  }
0x1f: {  	s9 =	smul.u32 $0xF7A, s1;
	s8 =	simm.s32 @!p0 $0x1BF5;
	p2 =	por !p2, p0  }
0x20: {  	[sflag:s8] =	ssyncset.s32 @!p0 $0xFFFFF086;
	s6 =	sadd.s32 @!p0 s3, s7;
	s7 =	simm.s32 @!p0 $0x108  }
0x21: {  	s3 =	sadd.s32 s3, s9;
	s6 =	sadd.s32 @!p0 $0x88, s6;
	s7 =	simm.s32 @p2 $0x1082  }
0x22: {  	[simem:s7], [sflag:s8] =	dma.local @!p0 [hbm:s6], $0xF7A  }
0x23: {  	s9 =	sor.u32 $0xD0000000, s2;
	s6 =	simm.s32 $0x108;
	_ =	swait.ge @!p0 [sflag:s8], $0x0  }
0x24: {  	s3 =	sadd.s32 $0x88, s3;
	s6 =	simm.s32 @!p1 $0x1082;
	[sflag:s4] =	ssyncset.s32 $0xFFFFF086  }
0x25: {  	[simem:s6], [sflag:s4] =	dma.local [hbm:s3], $0xF7A  }
0x26: {  	[smem:$0x3F9B] =	sst s1;
	(tag) =	ssettag s2;
	_ =	strace s9  }
0x27: {  	s1 =	sld [smem:$0x3FAB]  }
0x28: {  	s2 =	sld [smem:$0x3FAC]  }
0x29: {  	s4 =	sld [smem:$0x3FAE]  }
0x2a: {  	p0 =	seq.s32 s5, $0x0;
	s5 =	sld [smem:$0x3FAF]  }
0x2b: {  	s6 =	sld [smem:$0x3FB0]  }
0x2c: {  	s7 =	sld [smem:$0x3FB1]  }
0x2d: {  	s3 =	simm.s32 $0x108;
	s8 =	sld [smem:$0x3FB2]  }
0x2e: {  	s3 =	simm.s32 @!p0 $0x1082;
	s9 =	sld [smem:$0x3FB3]  }
0x2f: {  	lr =	sadd.s32 s0, s3;
	s0 =	sld [smem:$0x3FAA]  }
0x30: {  	s3 =	sld [smem:$0x3FAD]  }
0x31: {  	[smem:$0x3FB6] =	sst s10  }
0x32: {  	s10 =	sld [smem:$0x3FB4];
	_ =	sdelay $0x3  }
0x33: {  	p0 =	seq.s32 s10, $0x1;
	s10 =	sld [smem:$0x3FB6];
	_ =	sdelay $0x3  }
0x34: {  	[smem:$0x3FB6] =	sst s10  }
0x35: {  	s10 =	sld [smem:$0x3FB5];
	_ =	sdelay $0x3  }
0x36: {  	p1 =	seq.s32 s10, $0x1;
	s10 =	sld [smem:$0x3FB6];
	_ =	sdelay $0x3  }
0x37: {  	[smem:$0x3FB6] =	sst s10  }
0x38: {  	s10 =	sld [smem:$0x3FB7]  }
0x39: {  	_ = 	snop;
	(pc) =	sbr.ind lr, $3  }
0x3a: {  	_ = 	snop  }
0x3b: {  	_ = 	snop  }
0x3c: {  	p2 =	seq.s32 s10, $0x1;
	s10 =	sld [smem:$0x3FB6]  }
0x3d: {  	_ =	shalt  }
0x3e: {  	_ =	shalt  }
0x3f: {  	_ =	shalt  }
0x40: {  	_ =	shalt  }
0x41: {  	_ =	shalt  }
0x42: {  	_ =	shalt  }
0x43: {  	_ =	shalt  }
0x44: {  	_ =	shalt  }
0x45: {  	_ =	shalt  }
0x46: {  	_ =	shalt  }
0x47: {  	_ =	shalt  }
0x48: {  	_ =	shalt  }
0x49: {  	_ =	shalt  }
0x4a: {  	_ =	shalt  }
0x4b: {  	_ =	shalt  }
0x4c: {  	_ =	shalt  }
0x4d: {  	_ =	shalt  }
0x4e: {  	_ =	shalt  }
0x4f: {  	_ =	shalt  }
0x50: {  	_ =	shalt  }
0x51: {  	_ =	shalt  }
0x52: {  	_ =	shalt  }
0x53: {  	_ =	shalt  }
0x54: {  	_ =	shalt  }
0x55: {  	_ =	shalt  }
0x56: {  	_ =	shalt  }
0x57: {  	_ =	shalt  }
0x58: {  	_ =	shalt  }
0x59: {  	_ =	shalt  }
0x5a: {  	_ =	shalt  }
0x5b: {  	_ =	shalt  }
0x5c: {  	_ =	shalt  }
0x5d: {  	_ =	shalt  }
0x5e: {  	_ =	shalt  }
0x5f: {  	_ =	shalt  }
0x60: {  	_ =	shalt  }
0x61: {  	_ =	shalt  }
0x62: {  	_ =	shalt  }
0x63: {  	_ =	shalt  }
0x64: {  	_ =	shalt  }
0x65: {  	_ =	shalt  }
0x66: {  	_ =	shalt  }
0x67: {  	_ =	shalt  }
0x68: {  	_ =	shalt  }
0x69: {  	_ =	shalt  }
0x6a: {  	_ =	shalt  }
0x6b: {  	_ =	shalt  }
0x6c: {  	_ =	shalt  }
0x6d: {  	_ =	shalt  }
0x6e: {  	_ =	shalt  }
0x6f: {  	_ =	shalt  }
0x70: {  	_ =	shalt  }
0x71: {  	_ =	shalt  }
0x72: {  	_ =	shalt  }
0x73: {  	_ =	shalt  }
0x74: {  	_ =	shalt  }
0x75: {  	_ =	shalt  }
0x76: {  	_ =	shalt  }
0x77: {  	_ =	shalt  }
0x78: {  	_ =	shalt  }
0x79: {  	_ =	shalt  }
0x7a: {  	_ =	shalt  }
0x7b: {  	_ =	shalt  }
0x7c: {  	_ =	shalt  }
0x7d: {  	_ =	shalt  }
0x7e: {  	_ =	shalt  }
0x7f: {  	_ =	shalt  }
0x80: {  	_ =	shalt  }
0x81: {  	_ =	shalt  }
0x82: {  	_ =	shalt  }
0x83: {  	_ =	shalt  }
0x84: {  	_ =	shalt  }
0x85: {  	_ =	shalt  }
0x86: {  	_ =	shalt  }
0x87: {  	_ =	shalt  }
.Lfunc_end0:
.L_simem_size_0:
called_computation_lowered:
.L_overlay_start_0:
0x88: {  	s2 =	sld [smem:$0x3FD9]  }
0x89: {  	s3 =	sld [smem:$0x3FFE];
	_ =	sdelay $0x1  }
0x8a: {  	s1 =	srdreg.scid  }
0x8b: {  	s0 =	sand.u32 $0x1, s1  }
0x8c: {  	s17 =	sshll.u32 s0, $0xA;
	s2 =	sadd.s32 s3, s2  }
0x8d: {  	s2 =	sadd.s32 s2, s17  }
0x8e: {  	[smem:$0x3FC2] =	sst s2  }
0x8f: {  	_ = 	snop  }
0x90: {  	s2 =	sld [smem:$0x3FD0];
	(tm) =	ssettm $0x1  }
0x91: {  	s18 =	sld [smem:$0x3FFB];
	_ =	sdelay $0x3  }
0x92: {  	_ =	strace s18  }
0x93: {  	s3 =	sld [smem:$0x3FFC];
	_ =	sdelay $0x3  }
0x94: {  	_ =	strace s3  }
0x95: {  	s3 =	sld [smem:$0x3FFD];
	_ =	sdelay $0x3  }
0x96: {  	_ =	strace s3  }
0x97: {  	_ =	strace $0x8FFFFFFF  }
0x98: {  	s19 =	sld [smem:$0x3FDB];
	_ =	sdelay $0x1  }
0x99: {  	s4 =	simm.s32 $_scs_section_size  }
0x9a: {  	s5 =	simm.s32 $_size__tile_overlayer_lowered;
	s6 =	simm.s32 $_tile_overlayer_lowered  }
0x9b: {  	s22 =	simm.s32 $0x1BFF;
	s21 =	sshll.u32 s6, $0x1;
	s3 =	sadd.s32 s4, s19  }
0x9c: {  	s7 =	simm.s32 $0x0;
	s20 =	sshll.u32 s5, $0x1;
	s5 =	sadd.s32 s21, s3  }
0x9d: {  	[timem:s7], [sflag:s22] =	dma.local [hbm:s5], s20  }
0x9e: {  	_ =	swait.ge [sflag:s22], s20  }
0x9f: {  	s4 =	ssub.s32 $0x0, s20;
	[sflag:s22] =	ssyncset.done $0x0  }
0xa0: {  	[sflag:s22] =	ssyncadd.s32 s4;
	_ =	sdelay $0x1  }
0xa1: {  	s23 =	simm.s32 $0x1B8B  }
0xa2: {  	_ =	swait.ge [sflag:s23], $0x1  }
0xa3: {  	[sflag:s23] =	ssyncset.done $0x0  }
0xa4: {  	s25 =	simm.s32 $0x1B8E;
	s24 =	sld [smem:$0x3FFE];
	[sflag:s23] =	ssyncadd.s32 $0xFFFFFFFF  }
0xa5: {  	s26 =	simm.s32 $execute0_lowered;
	[smem:$0x3FD2] =	sst s25  }
0xa6: {  	s5 =	sshll.u32 s26, $0x1;
	_ =	strace $0x80000046;
	[dreg:$0x1] =	wrdreg $0xFFFFFFFF  }
0xa7: {  	s28 =	simm.s32 $_size_execute0_lowered;
	s3 =	sadd.s32 s3, s5;
	[dreg:$0x0] =	wrdreg $0x0  }
0xa8: {  	s5 =	sshll.u32 s28, $0x1;
	[dreg:$0x2] =	wrdreg s3  }
0xa9: {  	[dreg:$0x3] =	wrdreg s5  }
0xaa: {  	[dreg:$0x4] =	wrdreg $0xC0  }
0xab: {  	_ =	task [dreg:s7], $0x5FFFF  }
0xac: {  	[dreg:$0x1] =	wrdreg $0xFFFFFFFF  }
0xad: {  	[dreg:$0x0] =	wrdreg $0x60  }
0xae: {  	[dreg:$0x2] =	wrdreg s2  }
0xaf: {  	[dreg:$0x3] =	wrdreg s24  }
0xb0: {  	[dreg:$0x4] =	wrdreg $0x2F000  }
0xb1: {  	[dreg:$0x5] =	wrdreg $0x9  }
0xb2: {  	_ =	task.clear_ibuf [dreg:s7], $0x6FFFF;
	_ =	strace $0x90000046  }
0xb3: {  	s29 =	simm.s32 $0x9;
	_ =	strace $0x80000048  }
0xb4: {  	_ =	swait.ge [sflag:s29], $0x1  }
0xb5: {  	[sflag:s29] =	ssyncadd.s32 $0xFFFFFFFF  }
0xb6: {  	_ =	strace $0x90000048  }
0xb7: {  	_ =	sfence  }
0xb8: {  	s30 =	sld [smem:$0x0];
	_ =	sdelay $0x2  }
0xb9: {  	s31 =	sshll.u32 s1, $0xD;
	s1 =	sshrl.u32 s1, $0x2  }
0xba: {  	s3 =	sand.u32 $0x4000, s31;
	s1 =	sadd.s32 s1, s30  }
0xbb: {  	s0 =	sor.u32 s3, s0;
	s1 =	sshll.u32 s1, $0x11  }
0xbc: {  	s0 =	sor.u32 s1, s0  }
0xbd: {  	s0 =	sadd.s32 $0x8F2B, s0  }
0xbe: {  	[sflag:s0] =	ssyncadd.remote.s32 $0x1  }
0xbf: {  	_ =	sfence.sel $0xFFFF  }
0xc0: {  	[dreg:$0x0] =	wrdreg $0xFFFFFFFF;
	(pc) =	sbr.abs _section_cstart, $3  }
0xc1: {  	[dreg:$0x1] =	wrdreg $0xFFFFFFFF  }
0xc2: {  	_ =	task.clear_ibuf [dreg:s7], $0x2FFFF;
	_ =	strace $0x9FFFFFFF  }
0xc3: {  	(tm) =	ssettm $0x7FFFFFFF  }
tec
execute0_lowered:
.L_overlay_start_1:
0x0: {  	(tag) =	ssettag $0x1  }
0x1: {  	s5 =	rddreg [dreg:$0x0]  }
0x2: {  	s4 =	rddreg [dreg:$0x1]  }
0x3: {  	s2 =	rddreg [dreg:$0x2]  }
0x4: {  	s0 =	rddreg [dreg:$0x3]  }
0x5: {  	s3 =	simm.s32 $0x0;
	s6 =	srdreg.scid;
	s1 =	stileid.u32  }
0x6: {  	s11 =	simm.s32 $0x2C00;
	s14 =	simm.s32 $0x20;
	s15 =	simm.s32 $0x10  }
0x7: {  	s16 =	simm.s32 $0x0;
	[smem:$0x7FF] =	sst s3;
	s7 =	smul.u32 $0x500, s1  }
0x8: {  	s6 =	sand.u32 $0x1, s6;
	s9 =	sshll.u32 s1, $0x1;
	s30 =	smul.u32 $0xA00, s1  }
0x9: {  	s12 =	sshll.u32 s1, $0x6;
	_ =	strace $0x80000047;
	s8 =	sshll.u32 s6, $0x7  }
0xa: {  	s29 =	sor.u32 s6, s9;
	s6 =	ssub.s32 $0x2, s6;
	s12 =	sor.u32 $0x1C01, s12  }
0xb: {  	s7 =	sor.u32 s8, s7;
	s8 =	smul.u32 $0x580, s29;
	s31 =	sshrl.u32 s6, $0x1  }
0xc: {  	s9 =	sshrl.u32 s30, $0x2;
	s7 =	sshrl.u32 s7, $0x3;
	s10 =	ssub.s32 s6, s31  }
0xd: {  	s7 =	sadd.s32 s7, s4;
	s4 =	sadd.s32 s9, s2;
	s5 =	sadd.s32 s5, s8  }
0xe: {  	s8 =	simm.s32 $0x2C80;
	s9 =	simm.s32 $0x1;
	s6 =	sadd.s32 $0x2000, s7  }
0xf: {  	v0 =	vimm.f32 $1.000000000e+00;
	v1 =	vimm.f32 $0.0e+00;
	s7 =	smax.u32 s10, $0x1;
	s10 =	simm.s32 $0x80;
	s13 =	sshrl.u32 s4, $0x3  }
.LBB2_1:
0x10: {  	[tilespmem:$0x2C00] =	vst v0  }
0x11: {  	[tilespmem:$0x2C10] =	vst v0  }
0x12: {  	[tilespmem:$0x2C20] =	vst v0  }
0x13: {  	[tilespmem:$0x2C30] =	vst v0  }
0x14: {  	[tilespmem:$0x2C40] =	vst v0  }
0x15: {  	[tilespmem:$0x2C50] =	vst v0  }
0x16: {  	[tilespmem:$0x2C60] =	vst v0  }
0x17: {  	[tilespmem:$0x2C70] =	vst v0  }
0x18: {  	[tilespmem:$0x2C80] =	vst v1  }
0x19: {  	[tilespmem:$0x2C90] =	vst v1  }
0x1a: {  	[tilespmem:$0x2CA0] =	vst v1  }
0x1b: {  	[tilespmem:$0x2CB0] =	vst v1  }
0x1c: {  	[tilespmem:$0x2CC0] =	vst v1  }
0x1d: {  	[tilespmem:$0x2CD0] =	vst v1  }
0x1e: {  	[tilespmem:$0x2CE0] =	vst v1  }
0x1f: {  	[tilespmem:$0x2CF0] =	vst v1  }
0x20: {  	[tilespmem:$0x2D00] =	vst v1  }
0x21: {  	[tilespmem:$0x2D10] =	vst v1  }
0x22: {  	[tilespmem:$0x2D20] =	vst v1  }
0x23: {  	[tilespmem:$0x2D30] =	vst v1  }
0x24: {  	[tilespmem:$0x2D40] =	vst v1  }
0x25: {  	[tilespmem:$0x2D50] =	vst v1  }
0x26: {  	[tilespmem:$0x2D60] =	vst v1  }
0x27: {  	[tilespmem:$0x2D70] =	vst v1  }
0x28: {  	[tilespmem:$0x2D80] =	vst v1  }
0x29: {  	[tilespmem:$0x2D90] =	vst v1  }
0x2a: {  	[tilespmem:$0x2DA0] =	vst v1  }
0x2b: {  	[tilespmem:$0x2DB0] =	vst v1  }
0x2c: {  	[tilespmem:$0x2DC0] =	vst v1  }
0x2d: {  	[tilespmem:$0x2DD0] =	vst v1  }
0x2e: {  	[tilespmem:$0x2DE0] =	vst v1  }
0x2f: {  	[tilespmem:$0x2DF0] =	vst v1  }
0x30: {  	[tilespmem:$0x2E00] =	vst v1  }
0x31: {  	[tilespmem:$0x2E10] =	vst v1  }
0x32: {  	[tilespmem:$0x2E20] =	vst v1  }
0x33: {  	[tilespmem:$0x2E30] =	vst v1  }
0x34: {  	[tilespmem:$0x2E40] =	vst v1  }
0x35: {  	[tilespmem:$0x2E50] =	vst v1  }
0x36: {  	[tilespmem:$0x2E60] =	vst v1  }
0x37: {  	[tilespmem:$0x2E70] =	vst v1  }
0x38: {  	[tilespmem:$0x2E80] =	vst v1  }
0x39: {  	[tilespmem:$0x2E90] =	vst v1  }
0x3a: {  	[tilespmem:$0x2EA0] =	vst v1  }
0x3b: {  	[tilespmem:$0x2EB0] =	vst v1  }
0x3c: {  	[tilespmem:$0x2EC0] =	vst v1  }
0x3d: {  	[tilespmem:$0x2ED0] =	vst v1  }
0x3e: {  	[tilespmem:$0x2EE0] =	vst v1  }
0x3f: {  	[tilespmem:$0x2EF0] =	vst v1  }
0x40: {  	[spmem:s4] =	stream.linear.scatter [tilespmem:s8], [sflag:$0x1], $0x280, $0x38;
	[tilespmem:$0x3180] =	vst v63  }
0x41: {  	_ =	swait.ge [sflag:s9], $0x280  }
0x42: {  	[sflag:s9] =	ssyncset.done $0x0  }
0x43: {  	[sflag:s9] =	ssyncadd.s32 $0xFFFFFD80  }
0x44: {  	[bflag:$0x0] =	sbarrier.arrive $0xFFFF  }
0x45: {  	[tilespmem:s3], [sflag:$0x1] =	stream.linear.gather [hbm4b:s5+s3], $0x2880, $0x38;
	[tilespmem:$0x3180] =	vst v63  }
0x46: {  	_ =	swait.ge [sflag:s9], $0x2880  }
0x47: {  	[sflag:s9] =	ssyncset.done $0x0  }
0x48: {  	s17 =	simm.s32 $0x0;
	[sflag:s9] =	ssyncadd.s32 $0xFFFFD780  }
0x49: {  	[spmem:s2] =	stream.indirect.scatter.add.f32 [tilespmem:s11], [sflag:$0x1], $0x1, s17, s10, $0xb8;
	[tilespmem:$0x3180] =	vst v63  }
0x4a: {  	_ =	swait.ge [sflag:s9], $0x80  }
0x4b: {  	s17 =	simm.s32 $0x200;
	[sflag:s9] =	ssyncset.done $0x0  }
.LBB2_2:
0x4c: {  	s18 =	sshra.s32 s17, $0x2;
	[sflag:s9] =	ssyncadd.s32 $0xFFFFFF80;
	p0 =	sne.s32 s17, $0xA000  }
0x4d: {  	[spmem:s2] =	stream.indirect.scatter.add.f32 [tilespmem:s11], [sflag:$0x1], $0x1, s18, s10, $0xb8;
	[tilespmem:$0x3180] =	vst v63  }
.Ltmp0:
0x4e: {  	_ = 	snop;
	(pc) =	sbr.rel @p0 .LBB2_2-.Ltmp0, $4  }
0x4f: {  	_ = 	snop  }
0x50: {  	s17 =	sadd.s32 $0x200, s17  }
0x51: {  	_ =	swait.ge [sflag:s9], $0x80  }
0x52: {  	[sflag:s9] =	ssyncset.done $0x0  }
0x53: {  	s16 =	sadd.s32 $0x1, s16  }
0x54: {  	[sflag:s9] =	ssyncadd.s32 $0xFFFFFF80;
	p0 =	sne.s32 s16, s7  }
.Ltmp1:
0x55: {  	[bflag:$0x0] =	sbarrier.arrive $0xFFFF;
	(pc) =	sbr.rel @p0 .LBB2_1-.Ltmp1, $4  }
0x56: {  	[hbm:s6@s14], [sflag:s12] =	dma.strided [spmem:s13@s15], $0x50, s9, $0x10   }
0x57: {  	_ =	swait.ge [sflag:s9], $0x50  }
0x58: {  	[sflag:s9] =	ssyncset.done $0x0  }
0x59: {  	[sflag:s9] =	ssyncadd.s32 $0xFFFFFFB0  }
0x5a: {  	_ =	sfence.sel $0x180000  }
0x5b: {  	[bflag:$0x0] =	sbarrier.arrive $0xFFFF  }
0x5c: {  	p0 =	sne.s32 s1, $0x0;
	_ =	strace $0x90000047  }
0x5d: {  	s0 =	sadd.s32 @!p0 $0x100000, s0;
	[bflag:$0x2] =	sbarrier.arrive $0xFFFF  }
0x5e: {  	[sflag:s0] =	ssyncadd.tile.s32 @!p0 $0x1;
	_ =	shalt  }
.Lfunc_end2:
_tile_overlayer_lowered:
.L_overlay_start_2:
0x5f: {  	(tag) =	ssettag $0x2  }
0x60: {  	s0 =	rddreg [dreg:$0x0];
	s2 =	stileid.u32  }
0x61: {  	s1 =	rddreg [dreg:$0x1];
	p0 =	sne.s32 s2, $0x0  }
0x62: {  	s3 =	rddreg [dreg:$0x2];
	[bflag:$0x3] =	sbarrier.arrive $0xFFFF;
	s2 =	simm.s32 @!p0 $0x1C01  }
0x63: {  	[timem:s3], [sflag:s2] =	dma.local @!p0 [hbm:s0], s1  }
0x64: {  	s0 =	simm.s32 @!p0 $0x1  }
0x65: {  	_ =	swait.ge @!p0 [sflag:s0], s1  }
0x66: {  	s1 =	ssub.s32 @!p0 $0x0, s1;
	[sflag:s0] =	ssyncset.done @!p0 $0x0  }
0x67: {  	[sflag:s0] =	ssyncadd.s32 @!p0 s1  }
0x68: {  	[bflag:$0x3] =	sbarrier.arrive $0xFFFF  }
0x69: {  	_ =	shalt  }

</sc_bundles>
